<compile_context>
chip_gen: v7x
topology: tpu7x:2x2x1
jax: 0.10.2.dev20260603
libtpu: 0.0.44.dev20260713+nightly
codegen_flags: <defaults>
</compile_context>

<pallas_src>
import dataclasses
import functools

import jax
import jax.numpy as jnp
from jax import lax
from jax.experimental import pallas as pl
from jax.experimental.pallas import tpu as pltpu
from jax.experimental.pallas import tpu_sc as plsc

N = 10000
D = 128
H = 4
DH = D // H
NEG_SLOPE = 0.2
LN_EPS = 1e-5

NCORE = 2
NSUB = 16
NW = NCORE * NSUB
K = 128
NCB = 27
N_PAD = 10240
ROWS_PER_TILE = N_PAD // NSUB


def _tc_pre(x, W, A8):
    BN = 1024

    def body(x_ref, w_ref, a8_ref, xp_ref, ab_ref):
        xp = jnp.dot(x_ref[...], w_ref[...], preferred_element_type=jnp.float32)
        xp_ref[...] = xp
        ab_ref[...] = jnp.dot(xp, a8_ref[...], preferred_element_type=jnp.float32,
                              precision=lax.Precision.HIGHEST)

    return pl.pallas_call(
        body,
        grid=(N_PAD // BN,),
        in_specs=[
            pl.BlockSpec((BN, D), lambda i: (i, 0)),
            pl.BlockSpec((D, D), lambda i: (0, 0)),
            pl.BlockSpec((D, 16), lambda i: (0, 0)),
        ],
        out_specs=[
            pl.BlockSpec((BN, D), lambda i: (i, 0)),
            pl.BlockSpec((BN, 16), lambda i: (i, 0)),
        ],
        out_shape=[
            jax.ShapeDtypeStruct((N_PAD, D), jnp.float32),
            jax.ShapeDtypeStruct((N_PAD, 16), jnp.float32),
        ],
    )(x, W, A8)


def _sc_gat(xp, ab, src, dst, ept, nchunks):
    mesh = plsc.VectorSubcoreMesh(core_axis_name="c", subcore_axis_name="s")
    cp = pltpu.CompilerParams(use_tc_tiling_on_sc=False)
    if "needs_layout_passes" in pltpu.CompilerParams.__dataclass_fields__:
        cp = dataclasses.replace(cp, needs_layout_passes=False)

    @functools.partial(
        pl.kernel,
        compiler_params=cp,
        out_type=[
            jax.ShapeDtypeStruct((NCORE, N_PAD, D), jnp.float32),
            jax.ShapeDtypeStruct((NCORE, N_PAD, 16), jnp.float32),
        ],
        mesh=mesh,
        scratch_types=[
            pltpu.VMEM((K, D), jnp.float32),
            pltpu.VMEM((K, 16), jnp.float32),
            pltpu.VMEM((K, 16), jnp.float32),
            pltpu.VMEM((K, 16), jnp.float32),
            pltpu.VMEM((K * H,), jnp.float32),
            pltpu.VMEM((NCB, K), jnp.int32),
            pltpu.VMEM((NCB, K), jnp.int32),
            pltpu.SemaphoreType.DMA,
            pltpu.SemaphoreType.DMA,
            pltpu.SemaphoreType.DMA,
            pltpu.VMEM_SHARED((N_PAD, D), jnp.float32),
            pltpu.VMEM_SHARED((N_PAD, 16), jnp.float32),
        ],
    )
    def k(xp_hbm, ab_hbm, src_hbm, dst_hbm, agg_out, s_out,
          rows_v, abs_v, abd_v, ee_v, ee_f, si_v, di_v, gsem, gsem2, ssem,
          agg_sh, s_sh):
        c = lax.axis_index("c")
        t = lax.axis_index("s")
        lanes = lax.iota(jnp.int32, 16)
        rq = lanes >> 2
        rm = lanes & 3
        zv = jnp.zeros((16,), jnp.float32)

        @pl.loop(0, K)
        def _(i):
            for j in range(D // 16):
                rows_v[i, pl.ds(j * 16, 16)] = zv

        @pl.loop(0, K)
        def _(i):
            ee_v[i, pl.ds(0, 16)] = zv

        row0 = t * ROWS_PER_TILE
        for b in range(ROWS_PER_TILE // K):
            pltpu.sync_copy(rows_v, agg_sh.at[pl.ds(row0 + b * K, K)])
            pltpu.sync_copy(ee_v, s_sh.at[pl.ds(row0 + b * K, K)])
        plsc.subcore_barrier()

        w = c * NSUB + t

        @pl.loop(0, nchunks // NCB)
        def _(bi):
            pltpu.sync_copy(src_hbm.at[pl.ds(w * nchunks + bi * NCB, NCB)], si_v)
            pltpu.sync_copy(dst_hbm.at[pl.ds(w * nchunks + bi * NCB, NCB)], di_v)

            @pl.loop(0, NCB)
            def _(ci):
                g3 = pltpu.async_copy(xp_hbm.at[si_v.at[ci]], rows_v, gsem2)
                g1 = pltpu.async_copy(ab_hbm.at[si_v.at[ci]], abs_v, gsem)
                g2 = pltpu.async_copy(ab_hbm.at[di_v.at[ci]], abd_v, gsem)
                g1.wait()
                g2.wait()

                @pl.loop(0, K, step=4)
                def _(i):
                    ri = i + rq
                    e = (plsc.load_gather(abs_v, [ri, rm]) +
                         plsc.load_gather(abd_v, [ri, rm + 4]))
                    e = jnp.where(e > 0, e, e * NEG_SLOPE)
                    ee = jnp.exp(e)
                    plsc.store_scatter(ee_v, [ri, rm], ee)
                    ee_f[pl.ds(i * H, 16)] = ee

                s1 = pltpu.async_copy(ee_v, s_sh.at[di_v.at[ci]], ssem, add=True)
                g3.wait()

                @pl.loop(0, K, step=4)
                def _(k2):
                    v = ee_f[pl.ds(k2 * H, 16)]
                    for j in range(4):
                        for h in range(H):
                            a = v[j * H + h]
                            for r in range(DH // 16):
                                sl = pl.ds(h * DH + r * 16, 16)
                                rows_v[k2 + j, sl] = rows_v[k2 + j, sl] * a

                s2 = pltpu.async_copy(rows_v, agg_sh.at[di_v.at[ci]], ssem,
                                      add=True)
                s1.wait()
                s2.wait()

        plsc.subcore_barrier()
        pltpu.sync_copy(agg_sh.at[pl.ds(row0, ROWS_PER_TILE)],
                        agg_out.at[c, pl.ds(row0, ROWS_PER_TILE)])
        pltpu.sync_copy(s_sh.at[pl.ds(row0, ROWS_PER_TILE)],
                        s_out.at[c, pl.ds(row0, ROWS_PER_TILE)])

    return k(xp, ab, src, dst)


def _tc_post(x, aggp, sp, expm, bias, gamma, beta):
    BN = 1000

    def body(x_ref, agg_ref, s_ref, e_ref, b_ref, g_ref, be_ref, o_ref):
        agg = agg_ref[0] + agg_ref[1]
        s = s_ref[0] + s_ref[1]
        sinv = 1.0 / (s + 1e-16)
        sexp = jnp.dot(sinv, e_ref[...], preferred_element_type=jnp.float32,
                       precision=lax.Precision.HIGHEST)
        h = agg * sexp + b_ref[...]
        y = x_ref[...] + h
        mu = jnp.mean(y, axis=-1, keepdims=True)
        dd = y - mu
        var = jnp.mean(dd * dd, axis=-1, keepdims=True)
        o_ref[...] = (dd * lax.rsqrt(var + LN_EPS)) * g_ref[...] + be_ref[...]

    return pl.pallas_call(
        body,
        grid=(N // BN,),
        in_specs=[
            pl.BlockSpec((BN, D), lambda i: (i, 0)),
            pl.BlockSpec((2, BN, D), lambda i: (0, i, 0)),
            pl.BlockSpec((2, BN, 16), lambda i: (0, i, 0)),
            pl.BlockSpec((16, D), lambda i: (0, 0)),
            pl.BlockSpec((1, D), lambda i: (0, 0)),
            pl.BlockSpec((1, D), lambda i: (0, 0)),
            pl.BlockSpec((1, D), lambda i: (0, 0)),
        ],
        out_specs=pl.BlockSpec((BN, D), lambda i: (i, 0)),
        out_shape=jax.ShapeDtypeStruct((N, D), jnp.float32),
    )(x, aggp, sp, expm, bias, gamma, beta)


def kernel(x, edge_index, W, att_src, att_dst, bias, gamma, beta):
    E = edge_index.shape[1]
    Et = E + N
    nchunks = -(-Et // (NW * K))
    nchunks = NCB * (-(-nchunks // NCB))
    ept = nchunks * K
    pad = NW * ept - Et

    loop = jnp.arange(N, dtype=jnp.int32)
    src = jnp.concatenate([edge_index[0], loop, jnp.zeros((pad,), jnp.int32)])
    dst = jnp.concatenate([edge_index[1], loop, jnp.full((pad,), N, jnp.int32)])

    rows_idx = jnp.arange(D)
    h_of = rows_idx // DH
    A8 = jnp.zeros((D, 16), jnp.float32)
    A8 = A8.at[rows_idx, h_of].set(att_src.reshape(D))
    A8 = A8.at[rows_idx, H + h_of].set(att_dst.reshape(D))
    expm = jnp.concatenate(
        [jnp.repeat(jnp.eye(H, dtype=jnp.float32), DH, axis=1),
         jnp.zeros((16 - H, D), jnp.float32)], axis=0)

    x_pad = jnp.concatenate([x, jnp.zeros((N_PAD - N, D), jnp.float32)], axis=0)
    xp, ab = _tc_pre(x_pad, W, A8)
    aggp, sp = _sc_gat(xp, ab, src.reshape(NW * nchunks, K),
                       dst.reshape(NW * nchunks, K), ept, nchunks)
    return _tc_post(x, aggp, sp, expm,
                    bias.reshape(1, D), gamma.reshape(1, D), beta.reshape(1, D))

# --- scband reference (transcript-rebuilt; emitter-appended) ---
"""Pipeline reference for scband-local-gatbranch-36541581754538 (READ-ONLY COPY).

The authoritative reference and input builder live on the scoring server;
editing this copy changes nothing except your own understanding.
"""

import jax, jax.numpy as jnp
import numpy as np

N = 10000
E = 320000
D = 128
H = 4
DH = D // H
NEG_SLOPE = 0.2
LN_EPS = 1e-5


def setup_inputs(seed: int = 0) -> dict:
    key = jax.random.key(seed)
    ks = jax.random.split(key, 8)
    x = jax.random.normal(ks[0], (N, D), dtype=jnp.float32)
    edge_index = jax.random.randint(ks[1], (2, E), 0, N, dtype=jnp.int32)
    W = jax.random.normal(ks[2], (D, H * DH), dtype=jnp.float32) * (1.0 / np.sqrt(D))
    att_src = jax.random.normal(ks[3], (H, DH), dtype=jnp.float32) * 0.1
    att_dst = jax.random.normal(ks[4], (H, DH), dtype=jnp.float32) * 0.1
    bias = jnp.zeros((D,), dtype=jnp.float32)
    gamma = jnp.ones((D,), dtype=jnp.float32)
    beta = jnp.zeros((D,), dtype=jnp.float32)
    return {"x": x, "edge_index": edge_index, "W": W, "att_src": att_src,
            "att_dst": att_dst, "bias": bias, "gamma": gamma, "beta": beta}


def reference(x, edge_index, W, att_src, att_dst, bias, gamma, beta):
    # --- GATConv (PyG semantics, concat=True, add_self_loops=True, eval-mode dropout) ---
    src = edge_index[0]
    dst = edge_index[1]
    loop = jnp.arange(N, dtype=src.dtype)
    src = jnp.concatenate([src, loop])
    dst = jnp.concatenate([dst, loop])

    xp = (x @ W).reshape(N, H, DH)                       # [N, H, DH]
    a_src = jnp.sum(xp * att_src[None, :, :], axis=-1)   # [N, H]
    a_dst = jnp.sum(xp * att_dst[None, :, :], axis=-1)   # [N, H]

    e = a_src[src] + a_dst[dst]                          # [E+N, H] (gather)
    e = jax.nn.leaky_relu(e, NEG_SLOPE)

    # segment softmax over incoming edges of each dst node
    m = jax.ops.segment_max(e, dst, num_segments=N)
    m = jnp.where(jnp.isfinite(m), m, 0.0)
    m = jax.lax.stop_gradient(m)
    ee = jnp.exp(e - m[dst])
    s = jax.ops.segment_sum(ee, dst, num_segments=N)
    alpha = ee / (s[dst] + 1e-16)                        # [E+N, H]

    msg = xp[src] * alpha[..., None]                     # [E+N, H, DH] (gather)
    agg = jax.ops.segment_sum(msg, dst, num_segments=N)  # [N, H, DH] (scatter-add)
    h = agg.reshape(N, H * DH) + bias

    # --- residual + LayerNorm ---
    y = x + h
    mu = jnp.mean(y, axis=-1, keepdims=True)
    var = jnp.var(y, axis=-1, keepdims=True)
    yn = (y - mu) / jnp.sqrt(var + LN_EPS)
    return yn * gamma + beta

if __name__ == "__main__":
    import jax
    _d = setup_inputs()
    print(jax.jit(kernel)(*tuple(_d.values())))

</pallas_src>

<mosaic_0001>
#map = affine_map<(d0, d1) -> (0, 0)>
#map1 = affine_map<(d0, d1) -> (0, 0, 0)>
module attributes {stable_mosaic.version = 14 : i64} {
  func.func @k(%arg0: i32, %arg1: i32, %arg2: memref<10240x128xf32, #tpu.memory_space<hbm>>, %arg3: memref<10240x16xf32, #tpu.memory_space<hbm>>, %arg4: memref<2592x128xi32, #tpu.memory_space<hbm>>, %arg5: memref<2592x128xi32, #tpu.memory_space<hbm>>, %arg6: memref<2x10240x128xf32, #tpu.memory_space<hbm>>, %arg7: memref<2x10240x16xf32, #tpu.memory_space<hbm>>, %arg8: memref<128x128xf32, #tpu.memory_space<vmem>>, %arg9: memref<128x16xf32, #tpu.memory_space<vmem>>, %arg10: memref<128x16xf32, #tpu.memory_space<vmem>>, %arg11: memref<128x16xf32, #tpu.memory_space<vmem>>, %arg12: memref<512xf32, #tpu.memory_space<vmem>>, %arg13: memref<27x128xi32, #tpu.memory_space<vmem>>, %arg14: memref<27x128xi32, #tpu.memory_space<vmem>>, %arg15: memref<!tpu.dma_semaphore, #tpu.memory_space<semaphore_mem>>, %arg16: memref<!tpu.dma_semaphore, #tpu.memory_space<semaphore_mem>>, %arg17: memref<!tpu.dma_semaphore, #tpu.memory_space<semaphore_mem>>, %arg18: memref<10240x128xf32, #tpu.memory_space<vmem_shared>>, %arg19: memref<10240x16xf32, #tpu.memory_space<vmem_shared>>) attributes {dimension_semantics = [#tpu.dimension_semantics<core_parallel>, #tpu.dimension_semantics<subcore_parallel>], iteration_bounds = array<i64: 2, 16>, scalar_prefetch = 0 : i64, scratch_operands = 12 : i64, tpu.core_type = #tpu.core_type<sc_vector_subcore>, window_params = [{transform_indices = #map}, {transform_indices = #map}, {transform_indices = #map}, {transform_indices = #map}, {transform_indices = #map1}, {transform_indices = #map1}]} {
    %iota3A = tpu.iota {dimensions = array<i32: 0>} : vector<16xi32>
    %shift_right_arithmetic3A = arith.constant 2 : i32
    %shift_right_arithmetic3A_0 = vector.broadcast %shift_right_arithmetic3A : i32 to vector<16xi32>
    %shift_right_arithmetic3A_1 = arith.shrsi %iota3A, %shift_right_arithmetic3A_0 : vector<16xi32>
    %and3A = arith.constant 3 : i32
    %and3A_2 = vector.broadcast %and3A : i32 to vector<16xi32>
    %and3A_3 = arith.andi %iota3A, %and3A_2 : vector<16xi32>
    %broadcast_in_dim3A = arith.constant 0.000000e+00 : f32
    %broadcast_in_dim3A_4 = vector.broadcast %broadcast_in_dim3A : f32 to vector<16xf32>
    %scan3A = arith.constant 0 : i32
    %scan3A_5 = arith.constant 128 : i32
    %scan3A_6 = arith.addi %scan3A, %scan3A_5 : i32
    %scan3A_7 = arith.constant 1 : i32
    scf.for %scan3A_43 = %scan3A to %scan3A_6 step %scan3A_7  : i32 {
      %mul3A_44 = arith.constant 1 : i32
      %mul3A_45 = arith.muli %scan3A_43, %mul3A_44 : i32
      %add3A_46 = arith.constant 0 : i32
      %add3A_47 = arith.addi %add3A_46, %mul3A_45 : i32
      %swap3A = arith.index_cast %add3A_47 : i32 to index
      %swap3A_48 = arith.constant 0 : index
      %swap3A_49 = tpu.vector_load %arg8[%swap3A, %swap3A_48] {strides = array<i32>} : memref<128x128xf32, #tpu.memory_space<vmem>>, vector<16xf32>,
      tpu.vector_store %arg8[%swap3A, %swap3A_48], %broadcast_in_dim3A_4 {strides = array<i32>} : memref<128x128xf32, #tpu.memory_space<vmem>>, vector<16xf32>,
      %swap3A_50 = arith.index_cast %add3A_47 : i32 to index
      %swap3A_51 = arith.constant 16 : index
      %swap3A_52 = tpu.vector_load %arg8[%swap3A_50, %swap3A_51] {strides = array<i32>} : memref<128x128xf32, #tpu.memory_space<vmem>>, vector<16xf32>,
      tpu.vector_store %arg8[%swap3A_50, %swap3A_51], %broadcast_in_dim3A_4 {strides = array<i32>} : memref<128x128xf32, #tpu.memory_space<vmem>>, vector<16xf32>,
      %swap3A_53 = arith.index_cast %add3A_47 : i32 to index
      %swap3A_54 = arith.constant 32 : index
      %swap3A_55 = tpu.vector_load %arg8[%swap3A_53, %swap3A_54] {strides = array<i32>} : memref<128x128xf32, #tpu.memory_space<vmem>>, vector<16xf32>,
      tpu.vector_store %arg8[%swap3A_53, %swap3A_54], %broadcast_in_dim3A_4 {strides = array<i32>} : memref<128x128xf32, #tpu.memory_space<vmem>>, vector<16xf32>,
      %swap3A_56 = arith.index_cast %add3A_47 : i32 to index
      %swap3A_57 = arith.constant 48 : index
      %swap3A_58 = tpu.vector_load %arg8[%swap3A_56, %swap3A_57] {strides = array<i32>} : memref<128x128xf32, #tpu.memory_space<vmem>>, vector<16xf32>,
      tpu.vector_store %arg8[%swap3A_56, %swap3A_57], %broadcast_in_dim3A_4 {strides = array<i32>} : memref<128x128xf32, #tpu.memory_space<vmem>>, vector<16xf32>,
      %swap3A_59 = arith.index_cast %add3A_47 : i32 to index
      %swap3A_60 = arith.constant 64 : index
      %swap3A_61 = tpu.vector_load %arg8[%swap3A_59, %swap3A_60] {strides = array<i32>} : memref<128x128xf32, #tpu.memory_space<vmem>>, vector<16xf32>,
      tpu.vector_store %arg8[%swap3A_59, %swap3A_60], %broadcast_in_dim3A_4 {strides = array<i32>} : memref<128x128xf32, #tpu.memory_space<vmem>>, vector<16xf32>,
      %swap3A_62 = arith.index_cast %add3A_47 : i32 to index
      %swap3A_63 = arith.constant 80 : index
      %swap3A_64 = tpu.vector_load %arg8[%swap3A_62, %swap3A_63] {strides = array<i32>} : memref<128x128xf32, #tpu.memory_space<vmem>>, vector<16xf32>,
      tpu.vector_store %arg8[%swap3A_62, %swap3A_63], %broadcast_in_dim3A_4 {strides = array<i32>} : memref<128x128xf32, #tpu.memory_space<vmem>>, vector<16xf32>,
      %swap3A_65 = arith.index_cast %add3A_47 : i32 to index
      %swap3A_66 = arith.constant 96 : index
      %swap3A_67 = tpu.vector_load %arg8[%swap3A_65, %swap3A_66] {strides = array<i32>} : memref<128x128xf32, #tpu.memory_space<vmem>>, vector<16xf32>,
      tpu.vector_store %arg8[%swap3A_65, %swap3A_66], %broadcast_in_dim3A_4 {strides = array<i32>} : memref<128x128xf32, #tpu.memory_space<vmem>>, vector<16xf32>,
      %swap3A_68 = arith.index_cast %add3A_47 : i32 to index
      %swap3A_69 = arith.constant 112 : index
      %swap3A_70 = tpu.vector_load %arg8[%swap3A_68, %swap3A_69] {strides = array<i32>} : memref<128x128xf32, #tpu.memory_space<vmem>>, vector<16xf32>,
      tpu.vector_store %arg8[%swap3A_68, %swap3A_69], %broadcast_in_dim3A_4 {strides = array<i32>} : memref<128x128xf32, #tpu.memory_space<vmem>>, vector<16xf32>,
    }
    %scan3A_8 = arith.constant 128 : i32
    %scan3A_9 = arith.constant 0 : i32
    %scan3A_10 = arith.constant 128 : i32
    %scan3A_11 = arith.addi %scan3A_9, %scan3A_10 : i32
    %scan3A_12 = arith.constant 1 : i32
    scf.for %scan3A_43 = %scan3A_9 to %scan3A_11 step %scan3A_12  : i32 {
      %mul3A_44 = arith.constant 1 : i32
      %mul3A_45 = arith.muli %scan3A_43, %mul3A_44 : i32
      %add3A_46 = arith.constant 0 : i32
      %add3A_47 = arith.addi %add3A_46, %mul3A_45 : i32
      %swap3A = arith.index_cast %add3A_47 : i32 to index
      %swap3A_48 = arith.constant 0 : index
      %swap3A_49 = tpu.vector_load %arg11[%swap3A, %swap3A_48] {strides = array<i32>} : memref<128x16xf32, #tpu.memory_space<vmem>>, vector<16xf32>,
      tpu.vector_store %arg11[%swap3A, %swap3A_48], %broadcast_in_dim3A_4 {strides = array<i32>} : memref<128x16xf32, #tpu.memory_space<vmem>>, vector<16xf32>,
    }
    %scan3A_13 = arith.constant 128 : i32
    %mul3A = arith.constant 640 : i32
    %mul3A_14 = arith.muli %arg1, %mul3A : i32
    %add3A = arith.constant 0 : i32
    %add3A_15 = arith.addi %mul3A_14, %add3A : i32
    "tpu.region"() ({
      %run_scoped3A = tpu.sem_alloc : memref<!tpu.dma_semaphore, #tpu.memory_space<semaphore_mem>>
      %dma_start3A = arith.constant 0 : i32
      %dma_start3A_43 = tpu.memref_slice %arg18[%add3A_15, %dma_start3A] : memref<10240x128xf32, #tpu.memory_space<vmem_shared>> -> memref<128x128xf32, #tpu.memory_space<vmem_shared>>
      %dma_start3A_44 = arith.constant 0 : i32
      %dma_start3A_45 = tpu.memref_slice %arg18[%add3A_15, %dma_start3A_44] : memref<10240x128xf32, #tpu.memory_space<vmem_shared>> -> memref<128x128xf32, #tpu.memory_space<vmem_shared>>
      tpu.enqueue_dma source(%arg8 : memref<128x128xf32, #tpu.memory_space<vmem>>) target(%dma_start3A_45 : memref<128x128xf32, #tpu.memory_space<vmem_shared>>) target_semaphore(%run_scoped3A : memref<!tpu.dma_semaphore, #tpu.memory_space<semaphore_mem>>)
      %dma_wait3A = arith.constant 0 : i32
      %dma_wait3A_46 = tpu.memref_slice %arg18[%add3A_15, %dma_wait3A] : memref<10240x128xf32, #tpu.memory_space<vmem_shared>> -> memref<128x128xf32, #tpu.memory_space<vmem_shared>>
      %dma_wait3A_47 = arith.constant 0 : i32
      %dma_wait3A_48 = tpu.memref_slice %arg18[%add3A_15, %dma_wait3A_47] : memref<10240x128xf32, #tpu.memory_space<vmem_shared>> -> memref<128x128xf32, #tpu.memory_space<vmem_shared>>
      tpu.wait_dma2 semaphore(%run_scoped3A : memref<!tpu.dma_semaphore, #tpu.memory_space<semaphore_mem>>) src(%arg8 : memref<128x128xf32, #tpu.memory_space<vmem>>) dst(%dma_wait3A_48 : memref<128x128xf32, #tpu.memory_space<vmem_shared>>)
      tpu.yield
    }) : () -> ()
    %add3A_16 = arith.constant 0 : i32
    %add3A_17 = arith.addi %mul3A_14, %add3A_16 : i32
    "tpu.region"() ({
      %run_scoped3A = tpu.sem_alloc : memref<!tpu.dma_semaphore, #tpu.memory_space<semaphore_mem>>
      %dma_start3A = arith.constant 0 : i32
      %dma_start3A_43 = tpu.memref_slice %arg19[%add3A_17, %dma_start3A] : memref<10240x16xf32, #tpu.memory_space<vmem_shared>> -> memref<128x16xf32, #tpu.memory_space<vmem_shared>>
      %dma_start3A_44 = arith.constant 0 : i32
      %dma_start3A_45 = tpu.memref_slice %arg19[%add3A_17, %dma_start3A_44] : memref<10240x16xf32, #tpu.memory_space<vmem_shared>> -> memref<128x16xf32, #tpu.memory_space<vmem_shared>>
      tpu.enqueue_dma source(%arg11 : memref<128x16xf32, #tpu.memory_space<vmem>>) target(%dma_start3A_45 : memref<128x16xf32, #tpu.memory_space<vmem_shared>>) target_semaphore(%run_scoped3A : memref<!tpu.dma_semaphore, #tpu.memory_space<semaphore_mem>>)
      %dma_wait3A = arith.constant 0 : i32
      %dma_wait3A_46 = tpu.memref_slice %arg19[%add3A_17, %dma_wait3A] : memref<10240x16xf32, #tpu.memory_space<vmem_shared>> -> memref<128x16xf32, #tpu.memory_space<vmem_shared>>
      %dma_wait3A_47 = arith.constant 0 : i32
      %dma_wait3A_48 = tpu.memref_slice %arg19[%add3A_17, %dma_wait3A_47] : memref<10240x16xf32, #tpu.memory_space<vmem_shared>> -> memref<128x16xf32, #tpu.memory_space<vmem_shared>>
      tpu.wait_dma2 semaphore(%run_scoped3A : memref<!tpu.dma_semaphore, #tpu.memory_space<semaphore_mem>>) src(%arg11 : memref<128x16xf32, #tpu.memory_space<vmem>>) dst(%dma_wait3A_48 : memref<128x16xf32, #tpu.memory_space<vmem_shared>>)
      tpu.yield
    }) : () -> ()
    %add3A_18 = arith.constant 128 : i32
    %add3A_19 = arith.addi %mul3A_14, %add3A_18 : i32
    "tpu.region"() ({
      %run_scoped3A = tpu.sem_alloc : memref<!tpu.dma_semaphore, #tpu.memory_space<semaphore_mem>>
      %dma_start3A = arith.constant 0 : i32
      %dma_start3A_43 = tpu.memref_slice %arg18[%add3A_19, %dma_start3A] : memref<10240x128xf32, #tpu.memory_space<vmem_shared>> -> memref<128x128xf32, #tpu.memory_space<vmem_shared>>
      %dma_start3A_44 = arith.constant 0 : i32
      %dma_start3A_45 = tpu.memref_slice %arg18[%add3A_19, %dma_start3A_44] : memref<10240x128xf32, #tpu.memory_space<vmem_shared>> -> memref<128x128xf32, #tpu.memory_space<vmem_shared>>
      tpu.enqueue_dma source(%arg8 : memref<128x128xf32, #tpu.memory_space<vmem>>) target(%dma_start3A_45 : memref<128x128xf32, #tpu.memory_space<vmem_shared>>) target_semaphore(%run_scoped3A : memref<!tpu.dma_semaphore, #tpu.memory_space<semaphore_mem>>)
      %dma_wait3A = arith.constant 0 : i32
      %dma_wait3A_46 = tpu.memref_slice %arg18[%add3A_19, %dma_wait3A] : memref<10240x128xf32, #tpu.memory_space<vmem_shared>> -> memref<128x128xf32, #tpu.memory_space<vmem_shared>>
      %dma_wait3A_47 = arith.constant 0 : i32
      %dma_wait3A_48 = tpu.memref_slice %arg18[%add3A_19, %dma_wait3A_47] : memref<10240x128xf32, #tpu.memory_space<vmem_shared>> -> memref<128x128xf32, #tpu.memory_space<vmem_shared>>
      tpu.wait_dma2 semaphore(%run_scoped3A : memref<!tpu.dma_semaphore, #tpu.memory_space<semaphore_mem>>) src(%arg8 : memref<128x128xf32, #tpu.memory_space<vmem>>) dst(%dma_wait3A_48 : memref<128x128xf32, #tpu.memory_space<vmem_shared>>)
      tpu.yield
    }) : () -> ()
    %add3A_20 = arith.constant 128 : i32
    %add3A_21 = arith.addi %mul3A_14, %add3A_20 : i32
    "tpu.region"() ({
      %run_scoped3A = tpu.sem_alloc : memref<!tpu.dma_semaphore, #tpu.memory_space<semaphore_mem>>
      %dma_start3A = arith.constant 0 : i32
      %dma_start3A_43 = tpu.memref_slice %arg19[%add3A_21, %dma_start3A] : memref<10240x16xf32, #tpu.memory_space<vmem_shared>> -> memref<128x16xf32, #tpu.memory_space<vmem_shared>>
      %dma_start3A_44 = arith.constant 0 : i32
      %dma_start3A_45 = tpu.memref_slice %arg19[%add3A_21, %dma_start3A_44] : memref<10240x16xf32, #tpu.memory_space<vmem_shared>> -> memref<128x16xf32, #tpu.memory_space<vmem_shared>>
      tpu.enqueue_dma source(%arg11 : memref<128x16xf32, #tpu.memory_space<vmem>>) target(%dma_start3A_45 : memref<128x16xf32, #tpu.memory_space<vmem_shared>>) target_semaphore(%run_scoped3A : memref<!tpu.dma_semaphore, #tpu.memory_space<semaphore_mem>>)
      %dma_wait3A = arith.constant 0 : i32
      %dma_wait3A_46 = tpu.memref_slice %arg19[%add3A_21, %dma_wait3A] : memref<10240x16xf32, #tpu.memory_space<vmem_shared>> -> memref<128x16xf32, #tpu.memory_space<vmem_shared>>
      %dma_wait3A_47 = arith.constant 0 : i32
      %dma_wait3A_48 = tpu.memref_slice %arg19[%add3A_21, %dma_wait3A_47] : memref<10240x16xf32, #tpu.memory_space<vmem_shared>> -> memref<128x16xf32, #tpu.memory_space<vmem_shared>>
      tpu.wait_dma2 semaphore(%run_scoped3A : memref<!tpu.dma_semaphore, #tpu.memory_space<semaphore_mem>>) src(%arg11 : memref<128x16xf32, #tpu.memory_space<vmem>>) dst(%dma_wait3A_48 : memref<128x16xf32, #tpu.memory_space<vmem_shared>>)
      tpu.yield
    }) : () -> ()
    %add3A_22 = arith.constant 256 : i32
    %add3A_23 = arith.addi %mul3A_14, %add3A_22 : i32
    "tpu.region"() ({
      %run_scoped3A = tpu.sem_alloc : memref<!tpu.dma_semaphore, #tpu.memory_space<semaphore_mem>>
      %dma_start3A = arith.constant 0 : i32
      %dma_start3A_43 = tpu.memref_slice %arg18[%add3A_23, %dma_start3A] : memref<10240x128xf32, #tpu.memory_space<vmem_shared>> -> memref<128x128xf32, #tpu.memory_space<vmem_shared>>
      %dma_start3A_44 = arith.constant 0 : i32
      %dma_start3A_45 = tpu.memref_slice %arg18[%add3A_23, %dma_start3A_44] : memref<10240x128xf32, #tpu.memory_space<vmem_shared>> -> memref<128x128xf32, #tpu.memory_space<vmem_shared>>
      tpu.enqueue_dma source(%arg8 : memref<128x128xf32, #tpu.memory_space<vmem>>) target(%dma_start3A_45 : memref<128x128xf32, #tpu.memory_space<vmem_shared>>) target_semaphore(%run_scoped3A : memref<!tpu.dma_semaphore, #tpu.memory_space<semaphore_mem>>)
      %dma_wait3A = arith.constant 0 : i32
      %dma_wait3A_46 = tpu.memref_slice %arg18[%add3A_23, %dma_wait3A] : memref<10240x128xf32, #tpu.memory_space<vmem_shared>> -> memref<128x128xf32, #tpu.memory_space<vmem_shared>>
      %dma_wait3A_47 = arith.constant 0 : i32
      %dma_wait3A_48 = tpu.memref_slice %arg18[%add3A_23, %dma_wait3A_47] : memref<10240x128xf32, #tpu.memory_space<vmem_shared>> -> memref<128x128xf32, #tpu.memory_space<vmem_shared>>
      tpu.wait_dma2 semaphore(%run_scoped3A : memref<!tpu.dma_semaphore, #tpu.memory_space<semaphore_mem>>) src(%arg8 : memref<128x128xf32, #tpu.memory_space<vmem>>) dst(%dma_wait3A_48 : memref<128x128xf32, #tpu.memory_space<vmem_shared>>)
      tpu.yield
    }) : () -> ()
    %add3A_24 = arith.constant 256 : i32
    %add3A_25 = arith.addi %mul3A_14, %add3A_24 : i32
    "tpu.region"() ({
      %run_scoped3A = tpu.sem_alloc : memref<!tpu.dma_semaphore, #tpu.memory_space<semaphore_mem>>
      %dma_start3A = arith.constant 0 : i32
      %dma_start3A_43 = tpu.memref_slice %arg19[%add3A_25, %dma_start3A] : memref<10240x16xf32, #tpu.memory_space<vmem_shared>> -> memref<128x16xf32, #tpu.memory_space<vmem_shared>>
      %dma_start3A_44 = arith.constant 0 : i32
      %dma_start3A_45 = tpu.memref_slice %arg19[%add3A_25, %dma_start3A_44] : memref<10240x16xf32, #tpu.memory_space<vmem_shared>> -> memref<128x16xf32, #tpu.memory_space<vmem_shared>>
      tpu.enqueue_dma source(%arg11 : memref<128x16xf32, #tpu.memory_space<vmem>>) target(%dma_start3A_45 : memref<128x16xf32, #tpu.memory_space<vmem_shared>>) target_semaphore(%run_scoped3A : memref<!tpu.dma_semaphore, #tpu.memory_space<semaphore_mem>>)
      %dma_wait3A = arith.constant 0 : i32
      %dma_wait3A_46 = tpu.memref_slice %arg19[%add3A_25, %dma_wait3A] : memref<10240x16xf32, #tpu.memory_space<vmem_shared>> -> memref<128x16xf32, #tpu.memory_space<vmem_shared>>
      %dma_wait3A_47 = arith.constant 0 : i32
      %dma_wait3A_48 = tpu.memref_slice %arg19[%add3A_25, %dma_wait3A_47] : memref<10240x16xf32, #tpu.memory_space<vmem_shared>> -> memref<128x16xf32, #tpu.memory_space<vmem_shared>>
      tpu.wait_dma2 semaphore(%run_scoped3A : memref<!tpu.dma_semaphore, #tpu.memory_space<semaphore_mem>>) src(%arg11 : memref<128x16xf32, #tpu.memory_space<vmem>>) dst(%dma_wait3A_48 : memref<128x16xf32, #tpu.memory_space<vmem_shared>>)
      tpu.yield
    }) : () -> ()
    %add3A_26 = arith.constant 384 : i32
    %add3A_27 = arith.addi %mul3A_14, %add3A_26 : i32
    "tpu.region"() ({
      %run_scoped3A = tpu.sem_alloc : memref<!tpu.dma_semaphore, #tpu.memory_space<semaphore_mem>>
      %dma_start3A = arith.constant 0 : i32
      %dma_start3A_43 = tpu.memref_slice %arg18[%add3A_27, %dma_start3A] : memref<10240x128xf32, #tpu.memory_space<vmem_shared>> -> memref<128x128xf32, #tpu.memory_space<vmem_shared>>
      %dma_start3A_44 = arith.constant 0 : i32
      %dma_start3A_45 = tpu.memref_slice %arg18[%add3A_27, %dma_start3A_44] : memref<10240x128xf32, #tpu.memory_space<vmem_shared>> -> memref<128x128xf32, #tpu.memory_space<vmem_shared>>
      tpu.enqueue_dma source(%arg8 : memref<128x128xf32, #tpu.memory_space<vmem>>) target(%dma_start3A_45 : memref<128x128xf32, #tpu.memory_space<vmem_shared>>) target_semaphore(%run_scoped3A : memref<!tpu.dma_semaphore, #tpu.memory_space<semaphore_mem>>)
      %dma_wait3A = arith.constant 0 : i32
      %dma_wait3A_46 = tpu.memref_slice %arg18[%add3A_27, %dma_wait3A] : memref<10240x128xf32, #tpu.memory_space<vmem_shared>> -> memref<128x128xf32, #tpu.memory_space<vmem_shared>>
      %dma_wait3A_47 = arith.constant 0 : i32
      %dma_wait3A_48 = tpu.memref_slice %arg18[%add3A_27, %dma_wait3A_47] : memref<10240x128xf32, #tpu.memory_space<vmem_shared>> -> memref<128x128xf32, #tpu.memory_space<vmem_shared>>
      tpu.wait_dma2 semaphore(%run_scoped3A : memref<!tpu.dma_semaphore, #tpu.memory_space<semaphore_mem>>) src(%arg8 : memref<128x128xf32, #tpu.memory_space<vmem>>) dst(%dma_wait3A_48 : memref<128x128xf32, #tpu.memory_space<vmem_shared>>)
      tpu.yield
    }) : () -> ()
    %add3A_28 = arith.constant 384 : i32
    %add3A_29 = arith.addi %mul3A_14, %add3A_28 : i32
    "tpu.region"() ({
      %run_scoped3A = tpu.sem_alloc : memref<!tpu.dma_semaphore, #tpu.memory_space<semaphore_mem>>
      %dma_start3A = arith.constant 0 : i32
      %dma_start3A_43 = tpu.memref_slice %arg19[%add3A_29, %dma_start3A] : memref<10240x16xf32, #tpu.memory_space<vmem_shared>> -> memref<128x16xf32, #tpu.memory_space<vmem_shared>>
      %dma_start3A_44 = arith.constant 0 : i32
      %dma_start3A_45 = tpu.memref_slice %arg19[%add3A_29, %dma_start3A_44] : memref<10240x16xf32, #tpu.memory_space<vmem_shared>> -> memref<128x16xf32, #tpu.memory_space<vmem_shared>>
      tpu.enqueue_dma source(%arg11 : memref<128x16xf32, #tpu.memory_space<vmem>>) target(%dma_start3A_45 : memref<128x16xf32, #tpu.memory_space<vmem_shared>>) target_semaphore(%run_scoped3A : memref<!tpu.dma_semaphore, #tpu.memory_space<semaphore_mem>>)
      %dma_wait3A = arith.constant 0 : i32
      %dma_wait3A_46 = tpu.memref_slice %arg19[%add3A_29, %dma_wait3A] : memref<10240x16xf32, #tpu.memory_space<vmem_shared>> -> memref<128x16xf32, #tpu.memory_space<vmem_shared>>
      %dma_wait3A_47 = arith.constant 0 : i32
      %dma_wait3A_48 = tpu.memref_slice %arg19[%add3A_29, %dma_wait3A_47] : memref<10240x16xf32, #tpu.memory_space<vmem_shared>> -> memref<128x16xf32, #tpu.memory_space<vmem_shared>>
      tpu.wait_dma2 semaphore(%run_scoped3A : memref<!tpu.dma_semaphore, #tpu.memory_space<semaphore_mem>>) src(%arg11 : memref<128x16xf32, #tpu.memory_space<vmem>>) dst(%dma_wait3A_48 : memref<128x16xf32, #tpu.memory_space<vmem_shared>>)
      tpu.yield
    }) : () -> ()
    %add3A_30 = arith.constant 512 : i32
    %add3A_31 = arith.addi %mul3A_14, %add3A_30 : i32
    "tpu.region"() ({
      %run_scoped3A = tpu.sem_alloc : memref<!tpu.dma_semaphore, #tpu.memory_space<semaphore_mem>>
      %dma_start3A = arith.constant 0 : i32
      %dma_start3A_43 = tpu.memref_slice %arg18[%add3A_31, %dma_start3A] : memref<10240x128xf32, #tpu.memory_space<vmem_shared>> -> memref<128x128xf32, #tpu.memory_space<vmem_shared>>
      %dma_start3A_44 = arith.constant 0 : i32
      %dma_start3A_45 = tpu.memref_slice %arg18[%add3A_31, %dma_start3A_44] : memref<10240x128xf32, #tpu.memory_space<vmem_shared>> -> memref<128x128xf32, #tpu.memory_space<vmem_shared>>
      tpu.enqueue_dma source(%arg8 : memref<128x128xf32, #tpu.memory_space<vmem>>) target(%dma_start3A_45 : memref<128x128xf32, #tpu.memory_space<vmem_shared>>) target_semaphore(%run_scoped3A : memref<!tpu.dma_semaphore, #tpu.memory_space<semaphore_mem>>)
      %dma_wait3A = arith.constant 0 : i32
      %dma_wait3A_46 = tpu.memref_slice %arg18[%add3A_31, %dma_wait3A] : memref<10240x128xf32, #tpu.memory_space<vmem_shared>> -> memref<128x128xf32, #tpu.memory_space<vmem_shared>>
      %dma_wait3A_47 = arith.constant 0 : i32
      %dma_wait3A_48 = tpu.memref_slice %arg18[%add3A_31, %dma_wait3A_47] : memref<10240x128xf32, #tpu.memory_space<vmem_shared>> -> memref<128x128xf32, #tpu.memory_space<vmem_shared>>
      tpu.wait_dma2 semaphore(%run_scoped3A : memref<!tpu.dma_semaphore, #tpu.memory_space<semaphore_mem>>) src(%arg8 : memref<128x128xf32, #tpu.memory_space<vmem>>) dst(%dma_wait3A_48 : memref<128x128xf32, #tpu.memory_space<vmem_shared>>)
      tpu.yield
    }) : () -> ()
    %add3A_32 = arith.constant 512 : i32
    %add3A_33 = arith.addi %mul3A_14, %add3A_32 : i32
    "tpu.region"() ({
      %run_scoped3A = tpu.sem_alloc : memref<!tpu.dma_semaphore, #tpu.memory_space<semaphore_mem>>
      %dma_start3A = arith.constant 0 : i32
      %dma_start3A_43 = tpu.memref_slice %arg19[%add3A_33, %dma_start3A] : memref<10240x16xf32, #tpu.memory_space<vmem_shared>> -> memref<128x16xf32, #tpu.memory_space<vmem_shared>>
      %dma_start3A_44 = arith.constant 0 : i32
      %dma_start3A_45 = tpu.memref_slice %arg19[%add3A_33, %dma_start3A_44] : memref<10240x16xf32, #tpu.memory_space<vmem_shared>> -> memref<128x16xf32, #tpu.memory_space<vmem_shared>>
      tpu.enqueue_dma source(%arg11 : memref<128x16xf32, #tpu.memory_space<vmem>>) target(%dma_start3A_45 : memref<128x16xf32, #tpu.memory_space<vmem_shared>>) target_semaphore(%run_scoped3A : memref<!tpu.dma_semaphore, #tpu.memory_space<semaphore_mem>>)
      %dma_wait3A = arith.constant 0 : i32
      %dma_wait3A_46 = tpu.memref_slice %arg19[%add3A_33, %dma_wait3A] : memref<10240x16xf32, #tpu.memory_space<vmem_shared>> -> memref<128x16xf32, #tpu.memory_space<vmem_shared>>
      %dma_wait3A_47 = arith.constant 0 : i32
      %dma_wait3A_48 = tpu.memref_slice %arg19[%add3A_33, %dma_wait3A_47] : memref<10240x16xf32, #tpu.memory_space<vmem_shared>> -> memref<128x16xf32, #tpu.memory_space<vmem_shared>>
      tpu.wait_dma2 semaphore(%run_scoped3A : memref<!tpu.dma_semaphore, #tpu.memory_space<semaphore_mem>>) src(%arg11 : memref<128x16xf32, #tpu.memory_space<vmem>>) dst(%dma_wait3A_48 : memref<128x16xf32, #tpu.memory_space<vmem_shared>>)
      tpu.yield
    }) : () -> ()
    %barrier3A = arith.constant 0 : index
    tpu.barrier barrier_id(%barrier3A)
    %mul3A_34 = arith.constant 16 : i32
    %mul3A_35 = arith.muli %arg0, %mul3A_34 : i32
    %add3A_36 = arith.addi %mul3A_35, %arg1 : i32
    %scan3A_37 = arith.constant 0 : i32
    %scan3A_38 = arith.constant 3 : i32
    %scan3A_39 = arith.addi %scan3A_37, %scan3A_38 : i32
    %scan3A_40 = arith.constant 1 : i32
    scf.for %scan3A_43 = %scan3A_37 to %scan3A_39 step %scan3A_40  : i32 {
      %mul3A_44 = arith.constant 1 : i32
      %mul3A_45 = arith.muli %scan3A_43, %mul3A_44 : i32
      %add3A_46 = arith.constant 0 : i32
      %add3A_47 = arith.addi %add3A_46, %mul3A_45 : i32
      %mul3A_48 = arith.constant 81 : i32
      %mul3A_49 = arith.muli %add3A_36, %mul3A_48 : i32
      %mul3A_50 = arith.constant 27 : i32
      %mul3A_51 = arith.muli %add3A_47, %mul3A_50 : i32
      %add3A_52 = arith.addi %mul3A_49, %mul3A_51 : i32
      "tpu.region"() ({
        %run_scoped3A = tpu.sem_alloc : memref<!tpu.dma_semaphore, #tpu.memory_space<semaphore_mem>>
        %dma_start3A = arith.constant 0 : i32
        %dma_start3A_63 = tpu.memref_slice %arg4[%add3A_52, %dma_start3A] : memref<2592x128xi32, #tpu.memory_space<hbm>> -> memref<27x128xi32, #tpu.memory_space<hbm>>
        %dma_start3A_64 = arith.constant 0 : i32
        %dma_start3A_65 = tpu.memref_slice %arg4[%add3A_52, %dma_start3A_64] : memref<2592x128xi32, #tpu.memory_space<hbm>> -> memref<27x128xi32, #tpu.memory_space<hbm>>
        tpu.enqueue_dma source(%dma_start3A_65 : memref<27x128xi32, #tpu.memory_space<hbm>>) target(%arg13 : memref<27x128xi32, #tpu.memory_space<vmem>>) target_semaphore(%run_scoped3A : memref<!tpu.dma_semaphore, #tpu.memory_space<semaphore_mem>>)
        %dma_wait3A = arith.constant 0 : i32
        %dma_wait3A_66 = tpu.memref_slice %arg4[%add3A_52, %dma_wait3A] : memref<2592x128xi32, #tpu.memory_space<hbm>> -> memref<27x128xi32, #tpu.memory_space<hbm>>
        %dma_wait3A_67 = arith.constant 0 : i32
        %dma_wait3A_68 = tpu.memref_slice %arg4[%add3A_52, %dma_wait3A_67] : memref<2592x128xi32, #tpu.memory_space<hbm>> -> memref<27x128xi32, #tpu.memory_space<hbm>>
        tpu.wait_dma2 semaphore(%run_scoped3A : memref<!tpu.dma_semaphore, #tpu.memory_space<semaphore_mem>>) src(%dma_wait3A_68 : memref<27x128xi32, #tpu.memory_space<hbm>>) dst(%arg13 : memref<27x128xi32, #tpu.memory_space<vmem>>)
        tpu.yield
      }) : () -> ()
      %mul3A_53 = arith.constant 81 : i32
      %mul3A_54 = arith.muli %add3A_36, %mul3A_53 : i32
      %mul3A_55 = arith.constant 27 : i32
      %mul3A_56 = arith.muli %add3A_47, %mul3A_55 : i32
      %add3A_57 = arith.addi %mul3A_54, %mul3A_56 : i32
      "tpu.region"() ({
        %run_scoped3A = tpu.sem_alloc : memref<!tpu.dma_semaphore, #tpu.memory_space<semaphore_mem>>
        %dma_start3A = arith.constant 0 : i32
        %dma_start3A_63 = tpu.memref_slice %arg5[%add3A_57, %dma_start3A] : memref<2592x128xi32, #tpu.memory_space<hbm>> -> memref<27x128xi32, #tpu.memory_space<hbm>>
        %dma_start3A_64 = arith.constant 0 : i32
        %dma_start3A_65 = tpu.memref_slice %arg5[%add3A_57, %dma_start3A_64] : memref<2592x128xi32, #tpu.memory_space<hbm>> -> memref<27x128xi32, #tpu.memory_space<hbm>>
        tpu.enqueue_dma source(%dma_start3A_65 : memref<27x128xi32, #tpu.memory_space<hbm>>) target(%arg14 : memref<27x128xi32, #tpu.memory_space<vmem>>) target_semaphore(%run_scoped3A : memref<!tpu.dma_semaphore, #tpu.memory_space<semaphore_mem>>)
        %dma_wait3A = arith.constant 0 : i32
        %dma_wait3A_66 = tpu.memref_slice %arg5[%add3A_57, %dma_wait3A] : memref<2592x128xi32, #tpu.memory_space<hbm>> -> memref<27x128xi32, #tpu.memory_space<hbm>>
        %dma_wait3A_67 = arith.constant 0 : i32
        %dma_wait3A_68 = tpu.memref_slice %arg5[%add3A_57, %dma_wait3A_67] : memref<2592x128xi32, #tpu.memory_space<hbm>> -> memref<27x128xi32, #tpu.memory_space<hbm>>
        tpu.wait_dma2 semaphore(%run_scoped3A : memref<!tpu.dma_semaphore, #tpu.memory_space<semaphore_mem>>) src(%dma_wait3A_68 : memref<27x128xi32, #tpu.memory_space<hbm>>) dst(%arg14 : memref<27x128xi32, #tpu.memory_space<vmem>>)
        tpu.yield
      }) : () -> ()
      %scan3A_58 = arith.constant 0 : i32
      %scan3A_59 = arith.constant 27 : i32
      %scan3A_60 = arith.addi %scan3A_58, %scan3A_59 : i32
      %scan3A_61 = arith.constant 1 : i32
      scf.for %scan3A_63 = %scan3A_58 to %scan3A_60 step %scan3A_61  : i32 {
        %mul3A_64 = arith.constant 1 : i32
        %mul3A_65 = arith.muli %scan3A_63, %mul3A_64 : i32
        %add3A_66 = arith.constant 0 : i32
        %add3A_67 = arith.addi %add3A_66, %mul3A_65 : i32
        %dma_start3A = arith.constant 0 : i32
        %dma_start3A_68 = tpu.memref_slice %arg13[%add3A_67, %dma_start3A] : memref<27x128xi32, #tpu.memory_space<vmem>> -> memref<1x128xi32, #tpu.memory_space<vmem>>
        %dma_start3A_69 = tpu.memref_squeeze %dma_start3A_68 : memref<1x128xi32, #tpu.memory_space<vmem>> -> memref<128xi32, #tpu.memory_space<vmem>>
        %dma_start3A_70 = arith.constant 0 : i32
        %dma_start3A_71 = arith.constant 0 : i32
        %dma_start3A_72 = tpu.memref_slice %arg2[%dma_start3A_70, %dma_start3A_71] : memref<10240x128xf32, #tpu.memory_space<hbm>> -> memref<10240x128xf32, #tpu.memory_space<hbm>>
        tpu.enqueue_indirect_dma source(%dma_start3A_72 : memref<10240x128xf32, #tpu.memory_space<hbm>>) target(%arg8 : memref<128x128xf32, #tpu.memory_space<vmem>>) offsets(%dma_start3A_69 : memref<128xi32, #tpu.memory_space<vmem>>) semaphore(%arg16 : memref<!tpu.dma_semaphore, #tpu.memory_space<semaphore_mem>>)
        %dma_start3A_73 = arith.constant 0 : i32
        %dma_start3A_74 = tpu.memref_slice %arg13[%add3A_67, %dma_start3A_73] : memref<27x128xi32, #tpu.memory_space<vmem>> -> memref<1x128xi32, #tpu.memory_space<vmem>>
        %dma_start3A_75 = tpu.memref_squeeze %dma_start3A_74 : memref<1x128xi32, #tpu.memory_space<vmem>> -> memref<128xi32, #tpu.memory_space<vmem>>
        %dma_start3A_76 = arith.constant 0 : i32
        %dma_start3A_77 = arith.constant 0 : i32
        %dma_start3A_78 = tpu.memref_slice %arg3[%dma_start3A_76, %dma_start3A_77] : memref<10240x16xf32, #tpu.memory_space<hbm>> -> memref<10240x16xf32, #tpu.memory_space<hbm>>
        tpu.enqueue_indirect_dma source(%dma_start3A_78 : memref<10240x16xf32, #tpu.memory_space<hbm>>) target(%arg9 : memref<128x16xf32, #tpu.memory_space<vmem>>) offsets(%dma_start3A_75 : memref<128xi32, #tpu.memory_space<vmem>>) semaphore(%arg15 : memref<!tpu.dma_semaphore, #tpu.memory_space<semaphore_mem>>)
        %dma_start3A_79 = arith.constant 0 : i32
        %dma_start3A_80 = tpu.memref_slice %arg14[%add3A_67, %dma_start3A_79] : memref<27x128xi32, #tpu.memory_space<vmem>> -> memref<1x128xi32, #tpu.memory_space<vmem>>
        %dma_start3A_81 = tpu.memref_squeeze %dma_start3A_80 : memref<1x128xi32, #tpu.memory_space<vmem>> -> memref<128xi32, #tpu.memory_space<vmem>>
        %dma_start3A_82 = arith.constant 0 : i32
        %dma_start3A_83 = arith.constant 0 : i32
        %dma_start3A_84 = tpu.memref_slice %arg3[%dma_start3A_82, %dma_start3A_83] : memref<10240x16xf32, #tpu.memory_space<hbm>> -> memref<10240x16xf32, #tpu.memory_space<hbm>>
        tpu.enqueue_indirect_dma source(%dma_start3A_84 : memref<10240x16xf32, #tpu.memory_space<hbm>>) target(%arg10 : memref<128x16xf32, #tpu.memory_space<vmem>>) offsets(%dma_start3A_81 : memref<128xi32, #tpu.memory_space<vmem>>) semaphore(%arg15 : memref<!tpu.dma_semaphore, #tpu.memory_space<semaphore_mem>>)
        %dma_wait3A = arith.constant 0 : i32
        %dma_wait3A_85 = tpu.memref_slice %arg13[%add3A_67, %dma_wait3A] : memref<27x128xi32, #tpu.memory_space<vmem>> -> memref<1x128xi32, #tpu.memory_space<vmem>>
        %dma_wait3A_86 = tpu.memref_squeeze %dma_wait3A_85 : memref<1x128xi32, #tpu.memory_space<vmem>> -> memref<128xi32, #tpu.memory_space<vmem>>
        %dma_wait3A_87 = arith.constant 0 : i32
        %dma_wait3A_88 = arith.constant 0 : i32
        %dma_wait3A_89 = tpu.memref_slice %arg3[%dma_wait3A_87, %dma_wait3A_88] : memref<10240x16xf32, #tpu.memory_space<hbm>> -> memref<10240x16xf32, #tpu.memory_space<hbm>>
        tpu.wait_indirect_dma semaphore(%arg15 : memref<!tpu.dma_semaphore, #tpu.memory_space<semaphore_mem>>) src(%dma_wait3A_89 : memref<10240x16xf32, #tpu.memory_space<hbm>>) dst(%arg9 : memref<128x16xf32, #tpu.memory_space<vmem>>)
        %dma_wait3A_90 = arith.constant 0 : i32
        %dma_wait3A_91 = tpu.memref_slice %arg14[%add3A_67, %dma_wait3A_90] : memref<27x128xi32, #tpu.memory_space<vmem>> -> memref<1x128xi32, #tpu.memory_space<vmem>>
        %dma_wait3A_92 = tpu.memref_squeeze %dma_wait3A_91 : memref<1x128xi32, #tpu.memory_space<vmem>> -> memref<128xi32, #tpu.memory_space<vmem>>
        %dma_wait3A_93 = arith.constant 0 : i32
        %dma_wait3A_94 = arith.constant 0 : i32
        %dma_wait3A_95 = tpu.memref_slice %arg3[%dma_wait3A_93, %dma_wait3A_94] : memref<10240x16xf32, #tpu.memory_space<hbm>> -> memref<10240x16xf32, #tpu.memory_space<hbm>>
        tpu.wait_indirect_dma semaphore(%arg15 : memref<!tpu.dma_semaphore, #tpu.memory_space<semaphore_mem>>) src(%dma_wait3A_95 : memref<10240x16xf32, #tpu.memory_space<hbm>>) dst(%arg10 : memref<128x16xf32, #tpu.memory_space<vmem>>)
        %scan3A_96 = arith.constant 0 : i32
        %scan3A_97 = arith.constant 32 : i32
        %scan3A_98 = arith.addi %scan3A_96, %scan3A_97 : i32
        %scan3A_99 = arith.constant 1 : i32
        scf.for %scan3A_136 = %scan3A_96 to %scan3A_98 step %scan3A_99  : i32 {
          %mul3A_137 = arith.constant 4 : i32
          %mul3A_138 = arith.muli %scan3A_136, %mul3A_137 : i32
          %add3A_139 = arith.constant 0 : i32
          %add3A_140 = arith.addi %add3A_139, %mul3A_138 : i32
          %add3A_141 = vector.broadcast %add3A_140 : i32 to vector<16xi32>
          %add3A_142 = arith.addi %add3A_141, %shift_right_arithmetic3A_1 : vector<16xi32>
          %gather3A = tpu.vector_load_idx %arg9[%add3A_142, %and3A_3] : memref<128x16xf32, #tpu.memory_space<vmem>>[vector<16xi32>, vector<16xi32>], vector<16xf32>,
          %add3A_143 = arith.constant 4 : i32
          %add3A_144 = vector.broadcast %add3A_143 : i32 to vector<16xi32>
          %add3A_145 = arith.addi %and3A_3, %add3A_144 : vector<16xi32>
          %gather3A_146 = tpu.vector_load_idx %arg10[%add3A_142, %add3A_145] : memref<128x16xf32, #tpu.memory_space<vmem>>[vector<16xi32>, vector<16xi32>], vector<16xf32>,
          %add3A_147 = arith.addf %gather3A, %gather3A_146 : vector<16xf32>
          %gt3A = arith.constant 0.000000e+00 : f32
          %gt3A_148 = vector.broadcast %gt3A : f32 to vector<16xf32>
          %gt3A_149 = arith.cmpf ogt, %add3A_147, %gt3A_148 : vector<16xf32>
          %mul3A_150 = arith.constant 2.000000e-01 : f32
          %mul3A_151 = vector.broadcast %mul3A_150 : f32 to vector<16xf32>
          %mul3A_152 = arith.mulf %add3A_147, %mul3A_151 : vector<16xf32>
          %select_n3A = arith.select %gt3A_149, %add3A_147, %mul3A_152 : vector<16xi1>, vector<16xf32>
          %exp3A = math.exp %select_n3A : vector<16xf32>
          tpu.vector_store_idx %arg11[%add3A_142, %and3A_3], %exp3A : memref<128x16xf32, #tpu.memory_space<vmem>>[vector<16xi32>, vector<16xi32>], vector<16xf32>,
          %mul3A_153 = arith.constant 4 : i32
          %mul3A_154 = arith.muli %add3A_140, %mul3A_153 : i32
          %swap3A = arith.index_cast %mul3A_154 : i32 to index
          %swap3A_155 = tpu.vector_load %arg12[%swap3A] {strides = array<i32>} : memref<512xf32, #tpu.memory_space<vmem>>, vector<16xf32>,
          tpu.vector_store %arg12[%swap3A], %exp3A {strides = array<i32>} : memref<512xf32, #tpu.memory_space<vmem>>, vector<16xf32>,
        }
        %scan3A_100 = arith.constant 32 : i32
        %dma_start3A_101 = arith.constant 0 : i32
        %dma_start3A_102 = tpu.memref_slice %arg14[%add3A_67, %dma_start3A_101] : memref<27x128xi32, #tpu.memory_space<vmem>> -> memref<1x128xi32, #tpu.memory_space<vmem>>
        %dma_start3A_103 = tpu.memref_squeeze %dma_start3A_102 : memref<1x128xi32, #tpu.memory_space<vmem>> -> memref<128xi32, #tpu.memory_space<vmem>>
        %dma_start3A_104 = arith.constant 0 : i32
        %dma_start3A_105 = arith.constant 0 : i32
        %dma_start3A_106 = tpu.memref_slice %arg19[%dma_start3A_104, %dma_start3A_105] : memref<10240x16xf32, #tpu.memory_space<vmem_shared>> -> memref<10240x16xf32, #tpu.memory_space<vmem_shared>>
        tpu.enqueue_indirect_dma source(%arg11 : memref<128x16xf32, #tpu.memory_space<vmem>>) target(%dma_start3A_106 : memref<10240x16xf32, #tpu.memory_space<vmem_shared>>) offsets(%dma_start3A_103 : memref<128xi32, #tpu.memory_space<vmem>>) semaphore(%arg17 : memref<!tpu.dma_semaphore, #tpu.memory_space<semaphore_mem>>) {add = true}
        %dma_wait3A_107 = arith.constant 0 : i32
        %dma_wait3A_108 = tpu.memref_slice %arg13[%add3A_67, %dma_wait3A_107] : memref<27x128xi32, #tpu.memory_space<vmem>> -> memref<1x128xi32, #tpu.memory_space<vmem>>
        %dma_wait3A_109 = tpu.memref_squeeze %dma_wait3A_108 : memref<1x128xi32, #tpu.memory_space<vmem>> -> memref<128xi32, #tpu.memory_space<vmem>>
        %dma_wait3A_110 = arith.constant 0 : i32
        %dma_wait3A_111 = arith.constant 0 : i32
        %dma_wait3A_112 = tpu.memref_slice %arg2[%dma_wait3A_110, %dma_wait3A_111] : memref<10240x128xf32, #tpu.memory_space<hbm>> -> memref<10240x128xf32, #tpu.memory_space<hbm>>
        tpu.wait_indirect_dma semaphore(%arg16 : memref<!tpu.dma_semaphore, #tpu.memory_space<semaphore_mem>>) src(%dma_wait3A_112 : memref<10240x128xf32, #tpu.memory_space<hbm>>) dst(%arg8 : memref<128x128xf32, #tpu.memory_space<vmem>>)
        %scan3A_113 = arith.constant 0 : i32
        %scan3A_114 = arith.constant 32 : i32
        %scan3A_115 = arith.addi %scan3A_113, %scan3A_114 : i32
        %scan3A_116 = arith.constant 1 : i32
        scf.for %scan3A_136 = %scan3A_113 to %scan3A_115 step %scan3A_116  : i32 {
          %mul3A_137 = arith.constant 4 : i32
          %mul3A_138 = arith.muli %scan3A_136, %mul3A_137 : i32
          %add3A_139 = arith.constant 0 : i32
          %add3A_140 = arith.addi %add3A_139, %mul3A_138 : i32
          %mul3A_141 = arith.constant 4 : i32
          %mul3A_142 = arith.muli %add3A_140, %mul3A_141 : i32
          %get3A = arith.index_cast %mul3A_142 : i32 to index
          %get3A_143 = tpu.vector_load %arg12[%get3A] {strides = array<i32>} : memref<512xf32, #tpu.memory_space<vmem>>, vector<16xf32>,
          %slice3A = vector.extract_strided_slice %get3A_143 {offsets = [0], sizes = [1], strides = [1]} : vector<16xf32> to vector<1xf32>
          %squeeze3A = vector.extract %slice3A[0] : f32 from vector<1xf32>
          %add3A_144 = arith.constant 0 : i32
          %add3A_145 = arith.addi %add3A_140, %add3A_144 : i32
          %get3A_146 = arith.index_cast %add3A_145 : i32 to index
          %get3A_147 = arith.constant 0 : index
          %get3A_148 = tpu.vector_load %arg8[%get3A_146, %get3A_147] {strides = array<i32>} : memref<128x128xf32, #tpu.memory_space<vmem>>, vector<16xf32>,
          %mul3A_149 = vector.broadcast %squeeze3A : f32 to vector<16xf32>
          %mul3A_150 = arith.mulf %get3A_148, %mul3A_149 : vector<16xf32>
          %add3A_151 = arith.constant 0 : i32
          %add3A_152 = arith.addi %add3A_140, %add3A_151 : i32
          %swap3A = arith.index_cast %add3A_152 : i32 to index
          %swap3A_153 = arith.constant 0 : index
          %swap3A_154 = tpu.vector_load %arg8[%swap3A, %swap3A_153] {strides = array<i32>} : memref<128x128xf32, #tpu.memory_space<vmem>>, vector<16xf32>,
          tpu.vector_store %arg8[%swap3A, %swap3A_153], %mul3A_150 {strides = array<i32>} : memref<128x128xf32, #tpu.memory_space<vmem>>, vector<16xf32>,
          %add3A_155 = arith.constant 0 : i32
          %add3A_156 = arith.addi %add3A_140, %add3A_155 : i32
          %get3A_157 = arith.index_cast %add3A_156 : i32 to index
          %get3A_158 = arith.constant 16 : index
          %get3A_159 = tpu.vector_load %arg8[%get3A_157, %get3A_158] {strides = array<i32>} : memref<128x128xf32, #tpu.memory_space<vmem>>, vector<16xf32>,
          %mul3A_160 = vector.broadcast %squeeze3A : f32 to vector<16xf32>
          %mul3A_161 = arith.mulf %get3A_159, %mul3A_160 : vector<16xf32>
          %add3A_162 = arith.constant 0 : i32
          %add3A_163 = arith.addi %add3A_140, %add3A_162 : i32
          %swap3A_164 = arith.index_cast %add3A_163 : i32 to index
          %swap3A_165 = arith.constant 16 : index
          %swap3A_166 = tpu.vector_load %arg8[%swap3A_164, %swap3A_165] {strides = array<i32>} : memref<128x128xf32, #tpu.memory_space<vmem>>, vector<16xf32>,
          tpu.vector_store %arg8[%swap3A_164, %swap3A_165], %mul3A_161 {strides = array<i32>} : memref<128x128xf32, #tpu.memory_space<vmem>>, vector<16xf32>,
          %slice3A_167 = vector.extract_strided_slice %get3A_143 {offsets = [1], sizes = [1], strides = [1]} : vector<16xf32> to vector<1xf32>
          %squeeze3A_168 = vector.extract %slice3A_167[0] : f32 from vector<1xf32>
          %add3A_169 = arith.constant 0 : i32
          %add3A_170 = arith.addi %add3A_140, %add3A_169 : i32
          %get3A_171 = arith.index_cast %add3A_170 : i32 to index
          %get3A_172 = arith.constant 32 : index
          %get3A_173 = tpu.vector_load %arg8[%get3A_171, %get3A_172] {strides = array<i32>} : memref<128x128xf32, #tpu.memory_space<vmem>>, vector<16xf32>,
          %mul3A_174 = vector.broadcast %squeeze3A_168 : f32 to vector<16xf32>
          %mul3A_175 = arith.mulf %get3A_173, %mul3A_174 : vector<16xf32>
          %add3A_176 = arith.constant 0 : i32
          %add3A_177 = arith.addi %add3A_140, %add3A_176 : i32
          %swap3A_178 = arith.index_cast %add3A_177 : i32 to index
          %swap3A_179 = arith.constant 32 : index
          %swap3A_180 = tpu.vector_load %arg8[%swap3A_178, %swap3A_179] {strides = array<i32>} : memref<128x128xf32, #tpu.memory_space<vmem>>, vector<16xf32>,
          tpu.vector_store %arg8[%swap3A_178, %swap3A_179], %mul3A_175 {strides = array<i32>} : memref<128x128xf32, #tpu.memory_space<vmem>>, vector<16xf32>,
          %add3A_181 = arith.constant 0 : i32
          %add3A_182 = arith.addi %add3A_140, %add3A_181 : i32
          %get3A_183 = arith.index_cast %add3A_182 : i32 to index
          %get3A_184 = arith.constant 48 : index
          %get3A_185 = tpu.vector_load %arg8[%get3A_183, %get3A_184] {strides = array<i32>} : memref<128x128xf32, #tpu.memory_space<vmem>>, vector<16xf32>,
          %mul3A_186 = vector.broadcast %squeeze3A_168 : f32 to vector<16xf32>
          %mul3A_187 = arith.mulf %get3A_185, %mul3A_186 : vector<16xf32>
          %add3A_188 = arith.constant 0 : i32
          %add3A_189 = arith.addi %add3A_140, %add3A_188 : i32
          %swap3A_190 = arith.index_cast %add3A_189 : i32 to index
          %swap3A_191 = arith.constant 48 : index
          %swap3A_192 = tpu.vector_load %arg8[%swap3A_190, %swap3A_191] {strides = array<i32>} : memref<128x128xf32, #tpu.memory_space<vmem>>, vector<16xf32>,
          tpu.vector_store %arg8[%swap3A_190, %swap3A_191], %mul3A_187 {strides = array<i32>} : memref<128x128xf32, #tpu.memory_space<vmem>>, vector<16xf32>,
          %slice3A_193 = vector.extract_strided_slice %get3A_143 {offsets = [2], sizes = [1], strides = [1]} : vector<16xf32> to vector<1xf32>
          %squeeze3A_194 = vector.extract %slice3A_193[0] : f32 from vector<1xf32>
          %add3A_195 = arith.constant 0 : i32
          %add3A_196 = arith.addi %add3A_140, %add3A_195 : i32
          %get3A_197 = arith.index_cast %add3A_196 : i32 to index
          %get3A_198 = arith.constant 64 : index
          %get3A_199 = tpu.vector_load %arg8[%get3A_197, %get3A_198] {strides = array<i32>} : memref<128x128xf32, #tpu.memory_space<vmem>>, vector<16xf32>,
          %mul3A_200 = vector.broadcast %squeeze3A_194 : f32 to vector<16xf32>
          %mul3A_201 = arith.mulf %get3A_199, %mul3A_200 : vector<16xf32>
          %add3A_202 = arith.constant 0 : i32
          %add3A_203 = arith.addi %add3A_140, %add3A_202 : i32
          %swap3A_204 = arith.index_cast %add3A_203 : i32 to index
          %swap3A_205 = arith.constant 64 : index
          %swap3A_206 = tpu.vector_load %arg8[%swap3A_204, %swap3A_205] {strides = array<i32>} : memref<128x128xf32, #tpu.memory_space<vmem>>, vector<16xf32>,
          tpu.vector_store %arg8[%swap3A_204, %swap3A_205], %mul3A_201 {strides = array<i32>} : memref<128x128xf32, #tpu.memory_space<vmem>>, vector<16xf32>,
          %add3A_207 = arith.constant 0 : i32
          %add3A_208 = arith.addi %add3A_140, %add3A_207 : i32
          %get3A_209 = arith.index_cast %add3A_208 : i32 to index
          %get3A_210 = arith.constant 80 : index
          %get3A_211 = tpu.vector_load %arg8[%get3A_209, %get3A_210] {strides = array<i32>} : memref<128x128xf32, #tpu.memory_space<vmem>>, vector<16xf32>,
          %mul3A_212 = vector.broadcast %squeeze3A_194 : f32 to vector<16xf32>
          %mul3A_213 = arith.mulf %get3A_211, %mul3A_212 : vector<16xf32>
          %add3A_214 = arith.constant 0 : i32
          %add3A_215 = arith.addi %add3A_140, %add3A_214 : i32
          %swap3A_216 = arith.index_cast %add3A_215 : i32 to index
          %swap3A_217 = arith.constant 80 : index
          %swap3A_218 = tpu.vector_load %arg8[%swap3A_216, %swap3A_217] {strides = array<i32>} : memref<128x128xf32, #tpu.memory_space<vmem>>, vector<16xf32>,
          tpu.vector_store %arg8[%swap3A_216, %swap3A_217], %mul3A_213 {strides = array<i32>} : memref<128x128xf32, #tpu.memory_space<vmem>>, vector<16xf32>,
          %slice3A_219 = vector.extract_strided_slice %get3A_143 {offsets = [3], sizes = [1], strides = [1]} : vector<16xf32> to vector<1xf32>
          %squeeze3A_220 = vector.extract %slice3A_219[0] : f32 from vector<1xf32>
          %add3A_221 = arith.constant 0 : i32
          %add3A_222 = arith.addi %add3A_140, %add3A_221 : i32
          %get3A_223 = arith.index_cast %add3A_222 : i32 to index
          %get3A_224 = arith.constant 96 : index
          %get3A_225 = tpu.vector_load %arg8[%get3A_223, %get3A_224] {strides = array<i32>} : memref<128x128xf32, #tpu.memory_space<vmem>>, vector<16xf32>,
          %mul3A_226 = vector.broadcast %squeeze3A_220 : f32 to vector<16xf32>
          %mul3A_227 = arith.mulf %get3A_225, %mul3A_226 : vector<16xf32>
          %add3A_228 = arith.constant 0 : i32
          %add3A_229 = arith.addi %add3A_140, %add3A_228 : i32
          %swap3A_230 = arith.index_cast %add3A_229 : i32 to index
          %swap3A_231 = arith.constant 96 : index
          %swap3A_232 = tpu.vector_load %arg8[%swap3A_230, %swap3A_231] {strides = array<i32>} : memref<128x128xf32, #tpu.memory_space<vmem>>, vector<16xf32>,
          tpu.vector_store %arg8[%swap3A_230, %swap3A_231], %mul3A_227 {strides = array<i32>} : memref<128x128xf32, #tpu.memory_space<vmem>>, vector<16xf32>,
          %add3A_233 = arith.constant 0 : i32
          %add3A_234 = arith.addi %add3A_140, %add3A_233 : i32
          %get3A_235 = arith.index_cast %add3A_234 : i32 to index
          %get3A_236 = arith.constant 112 : index
          %get3A_237 = tpu.vector_load %arg8[%get3A_235, %get3A_236] {strides = array<i32>} : memref<128x128xf32, #tpu.memory_space<vmem>>, vector<16xf32>,
          %mul3A_238 = vector.broadcast %squeeze3A_220 : f32 to vector<16xf32>
          %mul3A_239 = arith.mulf %get3A_237, %mul3A_238 : vector<16xf32>
          %add3A_240 = arith.constant 0 : i32
          %add3A_241 = arith.addi %add3A_140, %add3A_240 : i32
          %swap3A_242 = arith.index_cast %add3A_241 : i32 to index
          %swap3A_243 = arith.constant 112 : index
          %swap3A_244 = tpu.vector_load %arg8[%swap3A_242, %swap3A_243] {strides = array<i32>} : memref<128x128xf32, #tpu.memory_space<vmem>>, vector<16xf32>,
          tpu.vector_store %arg8[%swap3A_242, %swap3A_243], %mul3A_239 {strides = array<i32>} : memref<128x128xf32, #tpu.memory_space<vmem>>, vector<16xf32>,
          %slice3A_245 = vector.extract_strided_slice %get3A_143 {offsets = [4], sizes = [1], strides = [1]} : vector<16xf32> to vector<1xf32>
          %squeeze3A_246 = vector.extract %slice3A_245[0] : f32 from vector<1xf32>
          %add3A_247 = arith.constant 1 : i32
          %add3A_248 = arith.addi %add3A_140, %add3A_247 : i32
          %get3A_249 = arith.index_cast %add3A_248 : i32 to index
          %get3A_250 = arith.constant 0 : index
          %get3A_251 = tpu.vector_load %arg8[%get3A_249, %get3A_250] {strides = array<i32>} : memref<128x128xf32, #tpu.memory_space<vmem>>, vector<16xf32>,
          %mul3A_252 = vector.broadcast %squeeze3A_246 : f32 to vector<16xf32>
          %mul3A_253 = arith.mulf %get3A_251, %mul3A_252 : vector<16xf32>
          %add3A_254 = arith.constant 1 : i32
          %add3A_255 = arith.addi %add3A_140, %add3A_254 : i32
          %swap3A_256 = arith.index_cast %add3A_255 : i32 to index
          %swap3A_257 = arith.constant 0 : index
          %swap3A_258 = tpu.vector_load %arg8[%swap3A_256, %swap3A_257] {strides = array<i32>} : memref<128x128xf32, #tpu.memory_space<vmem>>, vector<16xf32>,
          tpu.vector_store %arg8[%swap3A_256, %swap3A_257], %mul3A_253 {strides = array<i32>} : memref<128x128xf32, #tpu.memory_space<vmem>>, vector<16xf32>,
          %add3A_259 = arith.constant 1 : i32
          %add3A_260 = arith.addi %add3A_140, %add3A_259 : i32
          %get3A_261 = arith.index_cast %add3A_260 : i32 to index
          %get3A_262 = arith.constant 16 : index
          %get3A_263 = tpu.vector_load %arg8[%get3A_261, %get3A_262] {strides = array<i32>} : memref<128x128xf32, #tpu.memory_space<vmem>>, vector<16xf32>,
          %mul3A_264 = vector.broadcast %squeeze3A_246 : f32 to vector<16xf32>
          %mul3A_265 = arith.mulf %get3A_263, %mul3A_264 : vector<16xf32>
          %add3A_266 = arith.constant 1 : i32
          %add3A_267 = arith.addi %add3A_140, %add3A_266 : i32
          %swap3A_268 = arith.index_cast %add3A_267 : i32 to index
          %swap3A_269 = arith.constant 16 : index
          %swap3A_270 = tpu.vector_load %arg8[%swap3A_268, %swap3A_269] {strides = array<i32>} : memref<128x128xf32, #tpu.memory_space<vmem>>, vector<16xf32>,
          tpu.vector_store %arg8[%swap3A_268, %swap3A_269], %mul3A_265 {strides = array<i32>} : memref<128x128xf32, #tpu.memory_space<vmem>>, vector<16xf32>,
          %slice3A_271 = vector.extract_strided_slice %get3A_143 {offsets = [5], sizes = [1], strides = [1]} : vector<16xf32> to vector<1xf32>
          %squeeze3A_272 = vector.extract %slice3A_271[0] : f32 from vector<1xf32>
          %add3A_273 = arith.constant 1 : i32
          %add3A_274 = arith.addi %add3A_140, %add3A_273 : i32
          %get3A_275 = arith.index_cast %add3A_274 : i32 to index
          %get3A_276 = arith.constant 32 : index
          %get3A_277 = tpu.vector_load %arg8[%get3A_275, %get3A_276] {strides = array<i32>} : memref<128x128xf32, #tpu.memory_space<vmem>>, vector<16xf32>,
          %mul3A_278 = vector.broadcast %squeeze3A_272 : f32 to vector<16xf32>
          %mul3A_279 = arith.mulf %get3A_277, %mul3A_278 : vector<16xf32>
          %add3A_280 = arith.constant 1 : i32
          %add3A_281 = arith.addi %add3A_140, %add3A_280 : i32
          %swap3A_282 = arith.index_cast %add3A_281 : i32 to index
          %swap3A_283 = arith.constant 32 : index
          %swap3A_284 = tpu.vector_load %arg8[%swap3A_282, %swap3A_283] {strides = array<i32>} : memref<128x128xf32, #tpu.memory_space<vmem>>, vector<16xf32>,
          tpu.vector_store %arg8[%swap3A_282, %swap3A_283], %mul3A_279 {strides = array<i32>} : memref<128x128xf32, #tpu.memory_space<vmem>>, vector<16xf32>,
          %add3A_285 = arith.constant 1 : i32
          %add3A_286 = arith.addi %add3A_140, %add3A_285 : i32
          %get3A_287 = arith.index_cast %add3A_286 : i32 to index
          %get3A_288 = arith.constant 48 : index
          %get3A_289 = tpu.vector_load %arg8[%get3A_287, %get3A_288] {strides = array<i32>} : memref<128x128xf32, #tpu.memory_space<vmem>>, vector<16xf32>,
          %mul3A_290 = vector.broadcast %squeeze3A_272 : f32 to vector<16xf32>
          %mul3A_291 = arith.mulf %get3A_289, %mul3A_290 : vector<16xf32>
          %add3A_292 = arith.constant 1 : i32
          %add3A_293 = arith.addi %add3A_140, %add3A_292 : i32
          %swap3A_294 = arith.index_cast %add3A_293 : i32 to index
          %swap3A_295 = arith.constant 48 : index
          %swap3A_296 = tpu.vector_load %arg8[%swap3A_294, %swap3A_295] {strides = array<i32>} : memref<128x128xf32, #tpu.memory_space<vmem>>, vector<16xf32>,
          tpu.vector_store %arg8[%swap3A_294, %swap3A_295], %mul3A_291 {strides = array<i32>} : memref<128x128xf32, #tpu.memory_space<vmem>>, vector<16xf32>,
          %slice3A_297 = vector.extract_strided_slice %get3A_143 {offsets = [6], sizes = [1], strides = [1]} : vector<16xf32> to vector<1xf32>
          %squeeze3A_298 = vector.extract %slice3A_297[0] : f32 from vector<1xf32>
          %add3A_299 = arith.constant 1 : i32
          %add3A_300 = arith.addi %add3A_140, %add3A_299 : i32
          %get3A_301 = arith.index_cast %add3A_300 : i32 to index
          %get3A_302 = arith.constant 64 : index
          %get3A_303 = tpu.vector_load %arg8[%get3A_301, %get3A_302] {strides = array<i32>} : memref<128x128xf32, #tpu.memory_space<vmem>>, vector<16xf32>,
          %mul3A_304 = vector.broadcast %squeeze3A_298 : f32 to vector<16xf32>
          %mul3A_305 = arith.mulf %get3A_303, %mul3A_304 : vector<16xf32>
          %add3A_306 = arith.constant 1 : i32
          %add3A_307 = arith.addi %add3A_140, %add3A_306 : i32
          %swap3A_308 = arith.index_cast %add3A_307 : i32 to index
          %swap3A_309 = arith.constant 64 : index
          %swap3A_310 = tpu.vector_load %arg8[%swap3A_308, %swap3A_309] {strides = array<i32>} : memref<128x128xf32, #tpu.memory_space<vmem>>, vector<16xf32>,
          tpu.vector_store %arg8[%swap3A_308, %swap3A_309], %mul3A_305 {strides = array<i32>} : memref<128x128xf32, #tpu.memory_space<vmem>>, vector<16xf32>,
          %add3A_311 = arith.constant 1 : i32
          %add3A_312 = arith.addi %add3A_140, %add3A_311 : i32
          %get3A_313 = arith.index_cast %add3A_312 : i32 to index
          %get3A_314 = arith.constant 80 : index
          %get3A_315 = tpu.vector_load %arg8[%get3A_313, %get3A_314] {strides = array<i32>} : memref<128x128xf32, #tpu.memory_space<vmem>>, vector<16xf32>,
          %mul3A_316 = vector.broadcast %squeeze3A_298 : f32 to vector<16xf32>
          %mul3A_317 = arith.mulf %get3A_315, %mul3A_316 : vector<16xf32>
          %add3A_318 = arith.constant 1 : i32
          %add3A_319 = arith.addi %add3A_140, %add3A_318 : i32
          %swap3A_320 = arith.index_cast %add3A_319 : i32 to index
          %swap3A_321 = arith.constant 80 : index
          %swap3A_322 = tpu.vector_load %arg8[%swap3A_320, %swap3A_321] {strides = array<i32>} : memref<128x128xf32, #tpu.memory_space<vmem>>, vector<16xf32>,
          tpu.vector_store %arg8[%swap3A_320, %swap3A_321], %mul3A_317 {strides = array<i32>} : memref<128x128xf32, #tpu.memory_space<vmem>>, vector<16xf32>,
          %slice3A_323 = vector.extract_strided_slice %get3A_143 {offsets = [7], sizes = [1], strides = [1]} : vector<16xf32> to vector<1xf32>
          %squeeze3A_324 = vector.extract %slice3A_323[0] : f32 from vector<1xf32>
          %add3A_325 = arith.constant 1 : i32
          %add3A_326 = arith.addi %add3A_140, %add3A_325 : i32
          %get3A_327 = arith.index_cast %add3A_326 : i32 to index
          %get3A_328 = arith.constant 96 : index
          %get3A_329 = tpu.vector_load %arg8[%get3A_327, %get3A_328] {strides = array<i32>} : memref<128x128xf32, #tpu.memory_space<vmem>>, vector<16xf32>,
          %mul3A_330 = vector.broadcast %squeeze3A_324 : f32 to vector<16xf32>
          %mul3A_331 = arith.mulf %get3A_329, %mul3A_330 : vector<16xf32>
          %add3A_332 = arith.constant 1 : i32
          %add3A_333 = arith.addi %add3A_140, %add3A_332 : i32
          %swap3A_334 = arith.index_cast %add3A_333 : i32 to index
          %swap3A_335 = arith.constant 96 : index
          %swap3A_336 = tpu.vector_load %arg8[%swap3A_334, %swap3A_335] {strides = array<i32>} : memref<128x128xf32, #tpu.memory_space<vmem>>, vector<16xf32>,
          tpu.vector_store %arg8[%swap3A_334, %swap3A_335], %mul3A_331 {strides = array<i32>} : memref<128x128xf32, #tpu.memory_space<vmem>>, vector<16xf32>,
          %add3A_337 = arith.constant 1 : i32
          %add3A_338 = arith.addi %add3A_140, %add3A_337 : i32
          %get3A_339 = arith.index_cast %add3A_338 : i32 to index
          %get3A_340 = arith.constant 112 : index
          %get3A_341 = tpu.vector_load %arg8[%get3A_339, %get3A_340] {strides = array<i32>} : memref<128x128xf32, #tpu.memory_space<vmem>>, vector<16xf32>,
          %mul3A_342 = vector.broadcast %squeeze3A_324 : f32 to vector<16xf32>
          %mul3A_343 = arith.mulf %get3A_341, %mul3A_342 : vector<16xf32>
          %add3A_344 = arith.constant 1 : i32
          %add3A_345 = arith.addi %add3A_140, %add3A_344 : i32
          %swap3A_346 = arith.index_cast %add3A_345 : i32 to index
          %swap3A_347 = arith.constant 112 : index
          %swap3A_348 = tpu.vector_load %arg8[%swap3A_346, %swap3A_347] {strides = array<i32>} : memref<128x128xf32, #tpu.memory_space<vmem>>, vector<16xf32>,
          tpu.vector_store %arg8[%swap3A_346, %swap3A_347], %mul3A_343 {strides = array<i32>} : memref<128x128xf32, #tpu.memory_space<vmem>>, vector<16xf32>,
          %slice3A_349 = vector.extract_strided_slice %get3A_143 {offsets = [8], sizes = [1], strides = [1]} : vector<16xf32> to vector<1xf32>
          %squeeze3A_350 = vector.extract %slice3A_349[0] : f32 from vector<1xf32>
          %add3A_351 = arith.constant 2 : i32
          %add3A_352 = arith.addi %add3A_140, %add3A_351 : i32
          %get3A_353 = arith.index_cast %add3A_352 : i32 to index
          %get3A_354 = arith.constant 0 : index
          %get3A_355 = tpu.vector_load %arg8[%get3A_353, %get3A_354] {strides = array<i32>} : memref<128x128xf32, #tpu.memory_space<vmem>>, vector<16xf32>,
          %mul3A_356 = vector.broadcast %squeeze3A_350 : f32 to vector<16xf32>
          %mul3A_357 = arith.mulf %get3A_355, %mul3A_356 : vector<16xf32>
          %add3A_358 = arith.constant 2 : i32
          %add3A_359 = arith.addi %add3A_140, %add3A_358 : i32
          %swap3A_360 = arith.index_cast %add3A_359 : i32 to index
          %swap3A_361 = arith.constant 0 : index
          %swap3A_362 = tpu.vector_load %arg8[%swap3A_360, %swap3A_361] {strides = array<i32>} : memref<128x128xf32, #tpu.memory_space<vmem>>, vector<16xf32>,
          tpu.vector_store %arg8[%swap3A_360, %swap3A_361], %mul3A_357 {strides = array<i32>} : memref<128x128xf32, #tpu.memory_space<vmem>>, vector<16xf32>,
          %add3A_363 = arith.constant 2 : i32
          %add3A_364 = arith.addi %add3A_140, %add3A_363 : i32
          %get3A_365 = arith.index_cast %add3A_364 : i32 to index
          %get3A_366 = arith.constant 16 : index
          %get3A_367 = tpu.vector_load %arg8[%get3A_365, %get3A_366] {strides = array<i32>} : memref<128x128xf32, #tpu.memory_space<vmem>>, vector<16xf32>,
          %mul3A_368 = vector.broadcast %squeeze3A_350 : f32 to vector<16xf32>
          %mul3A_369 = arith.mulf %get3A_367, %mul3A_368 : vector<16xf32>
          %add3A_370 = arith.constant 2 : i32
          %add3A_371 = arith.addi %add3A_140, %add3A_370 : i32
          %swap3A_372 = arith.index_cast %add3A_371 : i32 to index
          %swap3A_373 = arith.constant 16 : index
          %swap3A_374 = tpu.vector_load %arg8[%swap3A_372, %swap3A_373] {strides = array<i32>} : memref<128x128xf32, #tpu.memory_space<vmem>>, vector<16xf32>,
          tpu.vector_store %arg8[%swap3A_372, %swap3A_373], %mul3A_369 {strides = array<i32>} : memref<128x128xf32, #tpu.memory_space<vmem>>, vector<16xf32>,
          %slice3A_375 = vector.extract_strided_slice %get3A_143 {offsets = [9], sizes = [1], strides = [1]} : vector<16xf32> to vector<1xf32>
          %squeeze3A_376 = vector.extract %slice3A_375[0] : f32 from vector<1xf32>
          %add3A_377 = arith.constant 2 : i32
          %add3A_378 = arith.addi %add3A_140, %add3A_377 : i32
          %get3A_379 = arith.index_cast %add3A_378 : i32 to index
          %get3A_380 = arith.constant 32 : index
          %get3A_381 = tpu.vector_load %arg8[%get3A_379, %get3A_380] {strides = array<i32>} : memref<128x128xf32, #tpu.memory_space<vmem>>, vector<16xf32>,
          %mul3A_382 = vector.broadcast %squeeze3A_376 : f32 to vector<16xf32>
          %mul3A_383 = arith.mulf %get3A_381, %mul3A_382 : vector<16xf32>
          %add3A_384 = arith.constant 2 : i32
          %add3A_385 = arith.addi %add3A_140, %add3A_384 : i32
          %swap3A_386 = arith.index_cast %add3A_385 : i32 to index
          %swap3A_387 = arith.constant 32 : index
          %swap3A_388 = tpu.vector_load %arg8[%swap3A_386, %swap3A_387] {strides = array<i32>} : memref<128x128xf32, #tpu.memory_space<vmem>>, vector<16xf32>,
          tpu.vector_store %arg8[%swap3A_386, %swap3A_387], %mul3A_383 {strides = array<i32>} : memref<128x128xf32, #tpu.memory_space<vmem>>, vector<16xf32>,
          %add3A_389 = arith.constant 2 : i32
          %add3A_390 = arith.addi %add3A_140, %add3A_389 : i32
          %get3A_391 = arith.index_cast %add3A_390 : i32 to index
          %get3A_392 = arith.constant 48 : index
          %get3A_393 = tpu.vector_load %arg8[%get3A_391, %get3A_392] {strides = array<i32>} : memref<128x128xf32, #tpu.memory_space<vmem>>, vector<16xf32>,
          %mul3A_394 = vector.broadcast %squeeze3A_376 : f32 to vector<16xf32>
          %mul3A_395 = arith.mulf %get3A_393, %mul3A_394 : vector<16xf32>
          %add3A_396 = arith.constant 2 : i32
          %add3A_397 = arith.addi %add3A_140, %add3A_396 : i32
          %swap3A_398 = arith.index_cast %add3A_397 : i32 to index
          %swap3A_399 = arith.constant 48 : index
          %swap3A_400 = tpu.vector_load %arg8[%swap3A_398, %swap3A_399] {strides = array<i32>} : memref<128x128xf32, #tpu.memory_space<vmem>>, vector<16xf32>,
          tpu.vector_store %arg8[%swap3A_398, %swap3A_399], %mul3A_395 {strides = array<i32>} : memref<128x128xf32, #tpu.memory_space<vmem>>, vector<16xf32>,
          %slice3A_401 = vector.extract_strided_slice %get3A_143 {offsets = [10], sizes = [1], strides = [1]} : vector<16xf32> to vector<1xf32>
          %squeeze3A_402 = vector.extract %slice3A_401[0] : f32 from vector<1xf32>
          %add3A_403 = arith.constant 2 : i32
          %add3A_404 = arith.addi %add3A_140, %add3A_403 : i32
          %get3A_405 = arith.index_cast %add3A_404 : i32 to index
          %get3A_406 = arith.constant 64 : index
          %get3A_407 = tpu.vector_load %arg8[%get3A_405, %get3A_406] {strides = array<i32>} : memref<128x128xf32, #tpu.memory_space<vmem>>, vector<16xf32>,
          %mul3A_408 = vector.broadcast %squeeze3A_402 : f32 to vector<16xf32>
          %mul3A_409 = arith.mulf %get3A_407, %mul3A_408 : vector<16xf32>
          %add3A_410 = arith.constant 2 : i32
          %add3A_411 = arith.addi %add3A_140, %add3A_410 : i32
          %swap3A_412 = arith.index_cast %add3A_411 : i32 to index
          %swap3A_413 = arith.constant 64 : index
          %swap3A_414 = tpu.vector_load %arg8[%swap3A_412, %swap3A_413] {strides = array<i32>} : memref<128x128xf32, #tpu.memory_space<vmem>>, vector<16xf32>,
          tpu.vector_store %arg8[%swap3A_412, %swap3A_413], %mul3A_409 {strides = array<i32>} : memref<128x128xf32, #tpu.memory_space<vmem>>, vector<16xf32>,
          %add3A_415 = arith.constant 2 : i32
          %add3A_416 = arith.addi %add3A_140, %add3A_415 : i32
          %get3A_417 = arith.index_cast %add3A_416 : i32 to index
          %get3A_418 = arith.constant 80 : index
          %get3A_419 = tpu.vector_load %arg8[%get3A_417, %get3A_418] {strides = array<i32>} : memref<128x128xf32, #tpu.memory_space<vmem>>, vector<16xf32>,
          %mul3A_420 = vector.broadcast %squeeze3A_402 : f32 to vector<16xf32>
          %mul3A_421 = arith.mulf %get3A_419, %mul3A_420 : vector<16xf32>
          %add3A_422 = arith.constant 2 : i32
          %add3A_423 = arith.addi %add3A_140, %add3A_422 : i32
          %swap3A_424 = arith.index_cast %add3A_423 : i32 to index
          %swap3A_425 = arith.constant 80 : index
          %swap3A_426 = tpu.vector_load %arg8[%swap3A_424, %swap3A_425] {strides = array<i32>} : memref<128x128xf32, #tpu.memory_space<vmem>>, vector<16xf32>,
          tpu.vector_store %arg8[%swap3A_424, %swap3A_425], %mul3A_421 {strides = array<i32>} : memref<128x128xf32, #tpu.memory_space<vmem>>, vector<16xf32>,
          %slice3A_427 = vector.extract_strided_slice %get3A_143 {offsets = [11], sizes = [1], strides = [1]} : vector<16xf32> to vector<1xf32>
          %squeeze3A_428 = vector.extract %slice3A_427[0] : f32 from vector<1xf32>
          %add3A_429 = arith.constant 2 : i32
          %add3A_430 = arith.addi %add3A_140, %add3A_429 : i32
          %get3A_431 = arith.index_cast %add3A_430 : i32 to index
          %get3A_432 = arith.constant 96 : index
          %get3A_433 = tpu.vector_load %arg8[%get3A_431, %get3A_432] {strides = array<i32>} : memref<128x128xf32, #tpu.memory_space<vmem>>, vector<16xf32>,
          %mul3A_434 = vector.broadcast %squeeze3A_428 : f32 to vector<16xf32>
          %mul3A_435 = arith.mulf %get3A_433, %mul3A_434 : vector<16xf32>
          %add3A_436 = arith.constant 2 : i32
          %add3A_437 = arith.addi %add3A_140, %add3A_436 : i32
          %swap3A_438 = arith.index_cast %add3A_437 : i32 to index
          %swap3A_439 = arith.constant 96 : index
          %swap3A_440 = tpu.vector_load %arg8[%swap3A_438, %swap3A_439] {strides = array<i32>} : memref<128x128xf32, #tpu.memory_space<vmem>>, vector<16xf32>,
          tpu.vector_store %arg8[%swap3A_438, %swap3A_439], %mul3A_435 {strides = array<i32>} : memref<128x128xf32, #tpu.memory_space<vmem>>, vector<16xf32>,
          %add3A_441 = arith.constant 2 : i32
          %add3A_442 = arith.addi %add3A_140, %add3A_441 : i32
          %get3A_443 = arith.index_cast %add3A_442 : i32 to index
          %get3A_444 = arith.constant 112 : index
          %get3A_445 = tpu.vector_load %arg8[%get3A_443, %get3A_444] {strides = array<i32>} : memref<128x128xf32, #tpu.memory_space<vmem>>, vector<16xf32>,
          %mul3A_446 = vector.broadcast %squeeze3A_428 : f32 to vector<16xf32>
          %mul3A_447 = arith.mulf %get3A_445, %mul3A_446 : vector<16xf32>
          %add3A_448 = arith.constant 2 : i32
          %add3A_449 = arith.addi %add3A_140, %add3A_448 : i32
          %swap3A_450 = arith.index_cast %add3A_449 : i32 to index
          %swap3A_451 = arith.constant 112 : index
          %swap3A_452 = tpu.vector_load %arg8[%swap3A_450, %swap3A_451] {strides = array<i32>} : memref<128x128xf32, #tpu.memory_space<vmem>>, vector<16xf32>,
          tpu.vector_store %arg8[%swap3A_450, %swap3A_451], %mul3A_447 {strides = array<i32>} : memref<128x128xf32, #tpu.memory_space<vmem>>, vector<16xf32>,
          %slice3A_453 = vector.extract_strided_slice %get3A_143 {offsets = [12], sizes = [1], strides = [1]} : vector<16xf32> to vector<1xf32>
          %squeeze3A_454 = vector.extract %slice3A_453[0] : f32 from vector<1xf32>
          %add3A_455 = arith.constant 3 : i32
          %add3A_456 = arith.addi %add3A_140, %add3A_455 : i32
          %get3A_457 = arith.index_cast %add3A_456 : i32 to index
          %get3A_458 = arith.constant 0 : index
          %get3A_459 = tpu.vector_load %arg8[%get3A_457, %get3A_458] {strides = array<i32>} : memref<128x128xf32, #tpu.memory_space<vmem>>, vector<16xf32>,
          %mul3A_460 = vector.broadcast %squeeze3A_454 : f32 to vector<16xf32>
          %mul3A_461 = arith.mulf %get3A_459, %mul3A_460 : vector<16xf32>
          %add3A_462 = arith.constant 3 : i32
          %add3A_463 = arith.addi %add3A_140, %add3A_462 : i32
          %swap3A_464 = arith.index_cast %add3A_463 : i32 to index
          %swap3A_465 = arith.constant 0 : index
          %swap3A_466 = tpu.vector_load %arg8[%swap3A_464, %swap3A_465] {strides = array<i32>} : memref<128x128xf32, #tpu.memory_space<vmem>>, vector<16xf32>,
          tpu.vector_store %arg8[%swap3A_464, %swap3A_465], %mul3A_461 {strides = array<i32>} : memref<128x128xf32, #tpu.memory_space<vmem>>, vector<16xf32>,
          %add3A_467 = arith.constant 3 : i32
          %add3A_468 = arith.addi %add3A_140, %add3A_467 : i32
          %get3A_469 = arith.index_cast %add3A_468 : i32 to index
          %get3A_470 = arith.constant 16 : index
          %get3A_471 = tpu.vector_load %arg8[%get3A_469, %get3A_470] {strides = array<i32>} : memref<128x128xf32, #tpu.memory_space<vmem>>, vector<16xf32>,
          %mul3A_472 = vector.broadcast %squeeze3A_454 : f32 to vector<16xf32>
          %mul3A_473 = arith.mulf %get3A_471, %mul3A_472 : vector<16xf32>
          %add3A_474 = arith.constant 3 : i32
          %add3A_475 = arith.addi %add3A_140, %add3A_474 : i32
          %swap3A_476 = arith.index_cast %add3A_475 : i32 to index
          %swap3A_477 = arith.constant 16 : index
          %swap3A_478 = tpu.vector_load %arg8[%swap3A_476, %swap3A_477] {strides = array<i32>} : memref<128x128xf32, #tpu.memory_space<vmem>>, vector<16xf32>,
          tpu.vector_store %arg8[%swap3A_476, %swap3A_477], %mul3A_473 {strides = array<i32>} : memref<128x128xf32, #tpu.memory_space<vmem>>, vector<16xf32>,
          %slice3A_479 = vector.extract_strided_slice %get3A_143 {offsets = [13], sizes = [1], strides = [1]} : vector<16xf32> to vector<1xf32>
          %squeeze3A_480 = vector.extract %slice3A_479[0] : f32 from vector<1xf32>
          %add3A_481 = arith.constant 3 : i32
          %add3A_482 = arith.addi %add3A_140, %add3A_481 : i32
          %get3A_483 = arith.index_cast %add3A_482 : i32 to index
          %get3A_484 = arith.constant 32 : index
          %get3A_485 = tpu.vector_load %arg8[%get3A_483, %get3A_484] {strides = array<i32>} : memref<128x128xf32, #tpu.memory_space<vmem>>, vector<16xf32>,
          %mul3A_486 = vector.broadcast %squeeze3A_480 : f32 to vector<16xf32>
          %mul3A_487 = arith.mulf %get3A_485, %mul3A_486 : vector<16xf32>
          %add3A_488 = arith.constant 3 : i32
          %add3A_489 = arith.addi %add3A_140, %add3A_488 : i32
          %swap3A_490 = arith.index_cast %add3A_489 : i32 to index
          %swap3A_491 = arith.constant 32 : index
          %swap3A_492 = tpu.vector_load %arg8[%swap3A_490, %swap3A_491] {strides = array<i32>} : memref<128x128xf32, #tpu.memory_space<vmem>>, vector<16xf32>,
          tpu.vector_store %arg8[%swap3A_490, %swap3A_491], %mul3A_487 {strides = array<i32>} : memref<128x128xf32, #tpu.memory_space<vmem>>, vector<16xf32>,
          %add3A_493 = arith.constant 3 : i32
          %add3A_494 = arith.addi %add3A_140, %add3A_493 : i32
          %get3A_495 = arith.index_cast %add3A_494 : i32 to index
          %get3A_496 = arith.constant 48 : index
          %get3A_497 = tpu.vector_load %arg8[%get3A_495, %get3A_496] {strides = array<i32>} : memref<128x128xf32, #tpu.memory_space<vmem>>, vector<16xf32>,
          %mul3A_498 = vector.broadcast %squeeze3A_480 : f32 to vector<16xf32>
          %mul3A_499 = arith.mulf %get3A_497, %mul3A_498 : vector<16xf32>
          %add3A_500 = arith.constant 3 : i32
          %add3A_501 = arith.addi %add3A_140, %add3A_500 : i32
          %swap3A_502 = arith.index_cast %add3A_501 : i32 to index
          %swap3A_503 = arith.constant 48 : index
          %swap3A_504 = tpu.vector_load %arg8[%swap3A_502, %swap3A_503] {strides = array<i32>} : memref<128x128xf32, #tpu.memory_space<vmem>>, vector<16xf32>,
          tpu.vector_store %arg8[%swap3A_502, %swap3A_503], %mul3A_499 {strides = array<i32>} : memref<128x128xf32, #tpu.memory_space<vmem>>, vector<16xf32>,
          %slice3A_505 = vector.extract_strided_slice %get3A_143 {offsets = [14], sizes = [1], strides = [1]} : vector<16xf32> to vector<1xf32>
          %squeeze3A_506 = vector.extract %slice3A_505[0] : f32 from vector<1xf32>
          %add3A_507 = arith.constant 3 : i32
          %add3A_508 = arith.addi %add3A_140, %add3A_507 : i32
          %get3A_509 = arith.index_cast %add3A_508 : i32 to index
          %get3A_510 = arith.constant 64 : index
          %get3A_511 = tpu.vector_load %arg8[%get3A_509, %get3A_510] {strides = array<i32>} : memref<128x128xf32, #tpu.memory_space<vmem>>, vector<16xf32>,
          %mul3A_512 = vector.broadcast %squeeze3A_506 : f32 to vector<16xf32>
          %mul3A_513 = arith.mulf %get3A_511, %mul3A_512 : vector<16xf32>
          %add3A_514 = arith.constant 3 : i32
          %add3A_515 = arith.addi %add3A_140, %add3A_514 : i32
          %swap3A_516 = arith.index_cast %add3A_515 : i32 to index
          %swap3A_517 = arith.constant 64 : index
          %swap3A_518 = tpu.vector_load %arg8[%swap3A_516, %swap3A_517] {strides = array<i32>} : memref<128x128xf32, #tpu.memory_space<vmem>>, vector<16xf32>,
          tpu.vector_store %arg8[%swap3A_516, %swap3A_517], %mul3A_513 {strides = array<i32>} : memref<128x128xf32, #tpu.memory_space<vmem>>, vector<16xf32>,
          %add3A_519 = arith.constant 3 : i32
          %add3A_520 = arith.addi %add3A_140, %add3A_519 : i32
          %get3A_521 = arith.index_cast %add3A_520 : i32 to index
          %get3A_522 = arith.constant 80 : index
          %get3A_523 = tpu.vector_load %arg8[%get3A_521, %get3A_522] {strides = array<i32>} : memref<128x128xf32, #tpu.memory_space<vmem>>, vector<16xf32>,
          %mul3A_524 = vector.broadcast %squeeze3A_506 : f32 to vector<16xf32>
          %mul3A_525 = arith.mulf %get3A_523, %mul3A_524 : vector<16xf32>
          %add3A_526 = arith.constant 3 : i32
          %add3A_527 = arith.addi %add3A_140, %add3A_526 : i32
          %swap3A_528 = arith.index_cast %add3A_527 : i32 to index
          %swap3A_529 = arith.constant 80 : index
          %swap3A_530 = tpu.vector_load %arg8[%swap3A_528, %swap3A_529] {strides = array<i32>} : memref<128x128xf32, #tpu.memory_space<vmem>>, vector<16xf32>,
          tpu.vector_store %arg8[%swap3A_528, %swap3A_529], %mul3A_525 {strides = array<i32>} : memref<128x128xf32, #tpu.memory_space<vmem>>, vector<16xf32>,
          %slice3A_531 = vector.extract_strided_slice %get3A_143 {offsets = [15], sizes = [1], strides = [1]} : vector<16xf32> to vector<1xf32>
          %squeeze3A_532 = vector.extract %slice3A_531[0] : f32 from vector<1xf32>
          %add3A_533 = arith.constant 3 : i32
          %add3A_534 = arith.addi %add3A_140, %add3A_533 : i32
          %get3A_535 = arith.index_cast %add3A_534 : i32 to index
          %get3A_536 = arith.constant 96 : index
          %get3A_537 = tpu.vector_load %arg8[%get3A_535, %get3A_536] {strides = array<i32>} : memref<128x128xf32, #tpu.memory_space<vmem>>, vector<16xf32>,
          %mul3A_538 = vector.broadcast %squeeze3A_532 : f32 to vector<16xf32>
          %mul3A_539 = arith.mulf %get3A_537, %mul3A_538 : vector<16xf32>
          %add3A_540 = arith.constant 3 : i32
          %add3A_541 = arith.addi %add3A_140, %add3A_540 : i32
          %swap3A_542 = arith.index_cast %add3A_541 : i32 to index
          %swap3A_543 = arith.constant 96 : index
          %swap3A_544 = tpu.vector_load %arg8[%swap3A_542, %swap3A_543] {strides = array<i32>} : memref<128x128xf32, #tpu.memory_space<vmem>>, vector<16xf32>,
          tpu.vector_store %arg8[%swap3A_542, %swap3A_543], %mul3A_539 {strides = array<i32>} : memref<128x128xf32, #tpu.memory_space<vmem>>, vector<16xf32>,
          %add3A_545 = arith.constant 3 : i32
          %add3A_546 = arith.addi %add3A_140, %add3A_545 : i32
          %get3A_547 = arith.index_cast %add3A_546 : i32 to index
          %get3A_548 = arith.constant 112 : index
          %get3A_549 = tpu.vector_load %arg8[%get3A_547, %get3A_548] {strides = array<i32>} : memref<128x128xf32, #tpu.memory_space<vmem>>, vector<16xf32>,
          %mul3A_550 = vector.broadcast %squeeze3A_532 : f32 to vector<16xf32>
          %mul3A_551 = arith.mulf %get3A_549, %mul3A_550 : vector<16xf32>
          %add3A_552 = arith.constant 3 : i32
          %add3A_553 = arith.addi %add3A_140, %add3A_552 : i32
          %swap3A_554 = arith.index_cast %add3A_553 : i32 to index
          %swap3A_555 = arith.constant 112 : index
          %swap3A_556 = tpu.vector_load %arg8[%swap3A_554, %swap3A_555] {strides = array<i32>} : memref<128x128xf32, #tpu.memory_space<vmem>>, vector<16xf32>,
          tpu.vector_store %arg8[%swap3A_554, %swap3A_555], %mul3A_551 {strides = array<i32>} : memref<128x128xf32, #tpu.memory_space<vmem>>, vector<16xf32>,
        }
        %scan3A_117 = arith.constant 32 : i32
        %dma_start3A_118 = arith.constant 0 : i32
        %dma_start3A_119 = tpu.memref_slice %arg14[%add3A_67, %dma_start3A_118] : memref<27x128xi32, #tpu.memory_space<vmem>> -> memref<1x128xi32, #tpu.memory_space<vmem>>
        %dma_start3A_120 = tpu.memref_squeeze %dma_start3A_119 : memref<1x128xi32, #tpu.memory_space<vmem>> -> memref<128xi32, #tpu.memory_space<vmem>>
        %dma_start3A_121 = arith.constant 0 : i32
        %dma_start3A_122 = arith.constant 0 : i32
        %dma_start3A_123 = tpu.memref_slice %arg18[%dma_start3A_121, %dma_start3A_122] : memref<10240x128xf32, #tpu.memory_space<vmem_shared>> -> memref<10240x128xf32, #tpu.memory_space<vmem_shared>>
        tpu.enqueue_indirect_dma source(%arg8 : memref<128x128xf32, #tpu.memory_space<vmem>>) target(%dma_start3A_123 : memref<10240x128xf32, #tpu.memory_space<vmem_shared>>) offsets(%dma_start3A_120 : memref<128xi32, #tpu.memory_space<vmem>>) semaphore(%arg17 : memref<!tpu.dma_semaphore, #tpu.memory_space<semaphore_mem>>) {add = true}
        %dma_wait3A_124 = arith.constant 0 : i32
        %dma_wait3A_125 = tpu.memref_slice %arg14[%add3A_67, %dma_wait3A_124] : memref<27x128xi32, #tpu.memory_space<vmem>> -> memref<1x128xi32, #tpu.memory_space<vmem>>
        %dma_wait3A_126 = tpu.memref_squeeze %dma_wait3A_125 : memref<1x128xi32, #tpu.memory_space<vmem>> -> memref<128xi32, #tpu.memory_space<vmem>>
        %dma_wait3A_127 = arith.constant 0 : i32
        %dma_wait3A_128 = arith.constant 0 : i32
        %dma_wait3A_129 = tpu.memref_slice %arg19[%dma_wait3A_127, %dma_wait3A_128] : memref<10240x16xf32, #tpu.memory_space<vmem_shared>> -> memref<10240x16xf32, #tpu.memory_space<vmem_shared>>
        tpu.wait_indirect_dma semaphore(%arg17 : memref<!tpu.dma_semaphore, #tpu.memory_space<semaphore_mem>>) src(%arg11 : memref<128x16xf32, #tpu.memory_space<vmem>>) dst(%dma_wait3A_129 : memref<10240x16xf32, #tpu.memory_space<vmem_shared>>)
        %dma_wait3A_130 = arith.constant 0 : i32
        %dma_wait3A_131 = tpu.memref_slice %arg14[%add3A_67, %dma_wait3A_130] : memref<27x128xi32, #tpu.memory_space<vmem>> -> memref<1x128xi32, #tpu.memory_space<vmem>>
        %dma_wait3A_132 = tpu.memref_squeeze %dma_wait3A_131 : memref<1x128xi32, #tpu.memory_space<vmem>> -> memref<128xi32, #tpu.memory_space<vmem>>
        %dma_wait3A_133 = arith.constant 0 : i32
        %dma_wait3A_134 = arith.constant 0 : i32
        %dma_wait3A_135 = tpu.memref_slice %arg18[%dma_wait3A_133, %dma_wait3A_134] : memref<10240x128xf32, #tpu.memory_space<vmem_shared>> -> memref<10240x128xf32, #tpu.memory_space<vmem_shared>>
        tpu.wait_indirect_dma semaphore(%arg17 : memref<!tpu.dma_semaphore, #tpu.memory_space<semaphore_mem>>) src(%arg8 : memref<128x128xf32, #tpu.memory_space<vmem>>) dst(%dma_wait3A_135 : memref<10240x128xf32, #tpu.memory_space<vmem_shared>>)
      }
      %scan3A_62 = arith.constant 27 : i32
    }
    %scan3A_41 = arith.constant 3 : i32
    %barrier3A_42 = arith.constant 0 : index
    tpu.barrier barrier_id(%barrier3A_42)
    "tpu.region"() ({
      %run_scoped3A = tpu.sem_alloc : memref<!tpu.dma_semaphore, #tpu.memory_space<semaphore_mem>>
      %dma_start3A = arith.constant 0 : i32
      %dma_start3A_43 = tpu.memref_slice %arg6[%arg0, %mul3A_14, %dma_start3A] : memref<2x10240x128xf32, #tpu.memory_space<hbm>> -> memref<1x640x128xf32, #tpu.memory_space<hbm>>
      %dma_start3A_44 = tpu.memref_squeeze %dma_start3A_43 : memref<1x640x128xf32, #tpu.memory_space<hbm>> -> memref<640x128xf32, #tpu.memory_space<hbm>>
      %dma_start3A_45 = arith.constant 0 : i32
      %dma_start3A_46 = tpu.memref_slice %arg18[%mul3A_14, %dma_start3A_45] : memref<10240x128xf32, #tpu.memory_space<vmem_shared>> -> memref<640x128xf32, #tpu.memory_space<vmem_shared>>
      tpu.enqueue_dma source(%dma_start3A_46 : memref<640x128xf32, #tpu.memory_space<vmem_shared>>) target(%dma_start3A_44 : memref<640x128xf32, #tpu.memory_space<hbm>>) target_semaphore(%run_scoped3A : memref<!tpu.dma_semaphore, #tpu.memory_space<semaphore_mem>>)
      %dma_wait3A = arith.constant 0 : i32
      %dma_wait3A_47 = tpu.memref_slice %arg6[%arg0, %mul3A_14, %dma_wait3A] : memref<2x10240x128xf32, #tpu.memory_space<hbm>> -> memref<1x640x128xf32, #tpu.memory_space<hbm>>
      %dma_wait3A_48 = tpu.memref_squeeze %dma_wait3A_47 : memref<1x640x128xf32, #tpu.memory_space<hbm>> -> memref<640x128xf32, #tpu.memory_space<hbm>>
      %dma_wait3A_49 = arith.constant 0 : i32
      %dma_wait3A_50 = tpu.memref_slice %arg18[%mul3A_14, %dma_wait3A_49] : memref<10240x128xf32, #tpu.memory_space<vmem_shared>> -> memref<640x128xf32, #tpu.memory_space<vmem_shared>>
      tpu.wait_dma2 semaphore(%run_scoped3A : memref<!tpu.dma_semaphore, #tpu.memory_space<semaphore_mem>>) src(%dma_wait3A_50 : memref<640x128xf32, #tpu.memory_space<vmem_shared>>) dst(%dma_wait3A_48 : memref<640x128xf32, #tpu.memory_space<hbm>>)
      tpu.yield
    }) : () -> ()
    "tpu.region"() ({
      %run_scoped3A = tpu.sem_alloc : memref<!tpu.dma_semaphore, #tpu.memory_space<semaphore_mem>>
      %dma_start3A = arith.constant 0 : i32
      %dma_start3A_43 = tpu.memref_slice %arg7[%arg0, %mul3A_14, %dma_start3A] : memref<2x10240x16xf32, #tpu.memory_space<hbm>> -> memref<1x640x16xf32, #tpu.memory_space<hbm>>
      %dma_start3A_44 = tpu.memref_squeeze %dma_start3A_43 : memref<1x640x16xf32, #tpu.memory_space<hbm>> -> memref<640x16xf32, #tpu.memory_space<hbm>>
      %dma_start3A_45 = arith.constant 0 : i32
      %dma_start3A_46 = tpu.memref_slice %arg19[%mul3A_14, %dma_start3A_45] : memref<10240x16xf32, #tpu.memory_space<vmem_shared>> -> memref<640x16xf32, #tpu.memory_space<vmem_shared>>
      tpu.enqueue_dma source(%dma_start3A_46 : memref<640x16xf32, #tpu.memory_space<vmem_shared>>) target(%dma_start3A_44 : memref<640x16xf32, #tpu.memory_space<hbm>>) target_semaphore(%run_scoped3A : memref<!tpu.dma_semaphore, #tpu.memory_space<semaphore_mem>>)
      %dma_wait3A = arith.constant 0 : i32
      %dma_wait3A_47 = tpu.memref_slice %arg7[%arg0, %mul3A_14, %dma_wait3A] : memref<2x10240x16xf32, #tpu.memory_space<hbm>> -> memref<1x640x16xf32, #tpu.memory_space<hbm>>
      %dma_wait3A_48 = tpu.memref_squeeze %dma_wait3A_47 : memref<1x640x16xf32, #tpu.memory_space<hbm>> -> memref<640x16xf32, #tpu.memory_space<hbm>>
      %dma_wait3A_49 = arith.constant 0 : i32
      %dma_wait3A_50 = tpu.memref_slice %arg19[%mul3A_14, %dma_wait3A_49] : memref<10240x16xf32, #tpu.memory_space<vmem_shared>> -> memref<640x16xf32, #tpu.memory_space<vmem_shared>>
      tpu.wait_dma2 semaphore(%run_scoped3A : memref<!tpu.dma_semaphore, #tpu.memory_space<semaphore_mem>>) src(%dma_wait3A_50 : memref<640x16xf32, #tpu.memory_space<vmem_shared>>) dst(%dma_wait3A_48 : memref<640x16xf32, #tpu.memory_space<hbm>>)
      tpu.yield
    }) : () -> ()
    return
  }
}

module attributes {stable_mosaic.version = 14 : i64} {
  func.func @body(%arg0: i32, %arg1: memref<1024x128xf32, #tpu.memory_space<vmem>>, %arg2: memref<128x128xf32, #tpu.memory_space<vmem>>, %arg3: memref<128x16xf32, #tpu.memory_space<vmem>>, %arg4: memref<1024x128xf32, #tpu.memory_space<vmem>>, %arg5: memref<1024x16xf32, #tpu.memory_space<vmem>>) attributes {dimension_semantics = [#tpu.dimension_semantics<arbitrary>], iteration_bounds = array<i64: 10>, scalar_prefetch = 0 : i64, scratch_operands = 0 : i64, tpu.core_type = #tpu.core_type<tc>, window_params = [{transform_indices = @transform_0, window_bounds = array<i64: 1024, 128>}, {pipeline_mode = #tpu.pipeline_mode<synchronous>, transform_indices = @transform_1, window_bounds = array<i64: 128, 128>}, {pipeline_mode = #tpu.pipeline_mode<synchronous>, transform_indices = @transform_2, window_bounds = array<i64: 128, 16>}, {transform_indices = @transform_3, window_bounds = array<i64: 1024, 128>}, {transform_indices = @transform_4, window_bounds = array<i64: 1024, 16>}]} {
    %get3A = arith.constant 0 : index
    %get3A_0 = arith.constant 0 : index
    %get3A_1 = vector.load %arg1[%get3A, %get3A_0] : memref<1024x128xf32, #tpu.memory_space<vmem>>, vector<1024x128xf32>
    %get3A_2 = arith.constant 0 : index
    %get3A_3 = arith.constant 0 : index
    %get3A_4 = vector.load %arg2[%get3A_2, %get3A_3] : memref<128x128xf32, #tpu.memory_space<vmem>>, vector<128x128xf32>
    %dot_general3A = arith.constant dense<0.000000e+00> : vector<1024x128xf32>
    %dot_general3A_5 = tpu.matmul %get3A_1, %get3A_4, %dot_general3A {dimension_numbers = #tpu.dot_dimension_numbers<[1], [0], [0], [1], [0, 0, 1, 1], [], []>, transpose_lhs_hint = false} : vector<1024x128xf32>, vector<128x128xf32>, vector<1024x128xf32> -> vector<1024x128xf32>
    %swap3A = arith.constant 0 : index
    %swap3A_6 = arith.constant 0 : index
    %swap3A_7 = vector.load %arg4[%swap3A, %swap3A_6] : memref<1024x128xf32, #tpu.memory_space<vmem>>, vector<1024x128xf32>
    tpu.vector_store %arg4[%swap3A, %swap3A_6], %dot_general3A_5 {strides = array<i32>} : memref<1024x128xf32, #tpu.memory_space<vmem>>, vector<1024x128xf32>,
    %get3A_8 = arith.constant 0 : index
    %get3A_9 = arith.constant 0 : index
    %get3A_10 = vector.load %arg3[%get3A_8, %get3A_9] : memref<128x16xf32, #tpu.memory_space<vmem>>, vector<128x16xf32>
    %dot_general3A_11 = arith.constant dense<0.000000e+00> : vector<1024x16xf32>
    %dot_general3A_12 = tpu.matmul %dot_general3A_5, %get3A_10, %dot_general3A_11 {dimension_numbers = #tpu.dot_dimension_numbers<[1], [0], [0], [1], [0, 0, 1, 1], [], []>, precision = #tpu.contract_precision<fp32>, transpose_lhs_hint = false} : vector<1024x128xf32>, vector<128x16xf32>, vector<1024x16xf32> -> vector<1024x16xf32>
    %swap3A_13 = arith.constant 0 : index
    %swap3A_14 = arith.constant 0 : index
    %swap3A_15 = vector.load %arg5[%swap3A_13, %swap3A_14] : memref<1024x16xf32, #tpu.memory_space<vmem>>, vector<1024x16xf32>
    tpu.vector_store %arg5[%swap3A_13, %swap3A_14], %dot_general3A_12 {strides = array<i32>} : memref<1024x16xf32, #tpu.memory_space<vmem>>, vector<1024x16xf32>,
    return
  }
  func.func @transform_0(%arg0: i32) -> (i32, i32) {
    %c0_i32 = arith.constant 0 : i32
    %c0_i32_0 = arith.constant 0 : i32
    return %arg0, %c0_i32 : i32, i32
  }
  func.func @transform_1(%arg0: i32) -> (i32, i32) {
    %c0_i32 = arith.constant 0 : i32
    %c0_i32_0 = arith.constant 0 : i32
    %c0_i32_1 = arith.constant 0 : i32
    return %c0_i32, %c0_i32_0 : i32, i32
  }
  func.func @transform_2(%arg0: i32) -> (i32, i32) {
    %c0_i32 = arith.constant 0 : i32
    %c0_i32_0 = arith.constant 0 : i32
    %c0_i32_1 = arith.constant 0 : i32
    return %c0_i32, %c0_i32_0 : i32, i32
  }
  func.func @transform_3(%arg0: i32) -> (i32, i32) {
    %c0_i32 = arith.constant 0 : i32
    %c0_i32_0 = arith.constant 0 : i32
    return %arg0, %c0_i32 : i32, i32
  }
  func.func @transform_4(%arg0: i32) -> (i32, i32) {
    %c0_i32 = arith.constant 0 : i32
    %c0_i32_0 = arith.constant 0 : i32
    return %arg0, %c0_i32 : i32, i32
  }
}

module attributes {stable_mosaic.version = 14 : i64} {
  func.func @body(%arg0: i32, %arg1: memref<1000x128xf32, #tpu.memory_space<vmem>>, %arg2: memref<2x1000x128xf32, #tpu.memory_space<vmem>>, %arg3: memref<2x1000x16xf32, #tpu.memory_space<vmem>>, %arg4: memref<16x128xf32, #tpu.memory_space<vmem>>, %arg5: memref<1x128xf32, #tpu.memory_space<vmem>>, %arg6: memref<1x128xf32, #tpu.memory_space<vmem>>, %arg7: memref<1x128xf32, #tpu.memory_space<vmem>>, %arg8: memref<1000x128xf32, #tpu.memory_space<vmem>>) attributes {dimension_semantics = [#tpu.dimension_semantics<arbitrary>], iteration_bounds = array<i64: 10>, scalar_prefetch = 0 : i64, scratch_operands = 0 : i64, tpu.core_type = #tpu.core_type<tc>, window_params = [{transform_indices = @transform_0, window_bounds = array<i64: 1000, 128>}, {transform_indices = @transform_1, window_bounds = array<i64: 2, 1000, 128>}, {transform_indices = @transform_2, window_bounds = array<i64: 2, 1000, 16>}, {pipeline_mode = #tpu.pipeline_mode<synchronous>, transform_indices = @transform_3, window_bounds = array<i64: 16, 128>}, {pipeline_mode = #tpu.pipeline_mode<synchronous>, transform_indices = @transform_4, window_bounds = array<i64: 1, 128>}, {pipeline_mode = #tpu.pipeline_mode<synchronous>, transform_indices = @transform_5, window_bounds = array<i64: 1, 128>}, {pipeline_mode = #tpu.pipeline_mode<synchronous>, transform_indices = @transform_6, window_bounds = array<i64: 1, 128>}, {transform_indices = @transform_7, window_bounds = array<i64: 1000, 128>}]} {
    %get3A = arith.constant 0 : index
    %get3A_0 = arith.constant 0 : index
    %get3A_1 = arith.constant 0 : index
    %get3A_2 = vector.load %arg2[%get3A, %get3A_0, %get3A_1] : memref<2x1000x128xf32, #tpu.memory_space<vmem>>, vector<1x1000x128xf32>
    %get3A_3 = vector.shape_cast %get3A_2 : vector<1x1000x128xf32> to vector<1000x128xf32>
    %get3A_4 = arith.constant 1 : index
    %get3A_5 = arith.constant 0 : index
    %get3A_6 = arith.constant 0 : index
    %get3A_7 = vector.load %arg2[%get3A_4, %get3A_5, %get3A_6] : memref<2x1000x128xf32, #tpu.memory_space<vmem>>, vector<1x1000x128xf32>
    %get3A_8 = vector.shape_cast %get3A_7 : vector<1x1000x128xf32> to vector<1000x128xf32>
    %add3A = arith.addf %get3A_3, %get3A_8 : vector<1000x128xf32>
    %get3A_9 = arith.constant 0 : index
    %get3A_10 = arith.constant 0 : index
    %get3A_11 = arith.constant 0 : index
    %get3A_12 = vector.load %arg3[%get3A_9, %get3A_10, %get3A_11] : memref<2x1000x16xf32, #tpu.memory_space<vmem>>, vector<1x1000x16xf32>
    %get3A_13 = vector.shape_cast %get3A_12 : vector<1x1000x16xf32> to vector<1000x16xf32>
    %get3A_14 = arith.constant 1 : index
    %get3A_15 = arith.constant 0 : index
    %get3A_16 = arith.constant 0 : index
    %get3A_17 = vector.load %arg3[%get3A_14, %get3A_15, %get3A_16] : memref<2x1000x16xf32, #tpu.memory_space<vmem>>, vector<1x1000x16xf32>
    %get3A_18 = vector.shape_cast %get3A_17 : vector<1x1000x16xf32> to vector<1000x16xf32>
    %add3A_19 = arith.addf %get3A_13, %get3A_18 : vector<1000x16xf32>
    %add3A_20 = arith.constant 1.000000e-16 : f32
    %add3A_21 = vector.broadcast %add3A_20 : f32 to vector<1000x16xf32>
    %add3A_22 = arith.addf %add3A_19, %add3A_21 : vector<1000x16xf32>
    %div3A = arith.constant 1.000000e+00 : f32
    %div3A_23 = vector.broadcast %div3A : f32 to vector<1000x16xf32>
    %div3A_24 = arith.divf %div3A_23, %add3A_22 : vector<1000x16xf32>
    %get3A_25 = arith.constant 0 : index
    %get3A_26 = arith.constant 0 : index
    %get3A_27 = vector.load %arg4[%get3A_25, %get3A_26] : memref<16x128xf32, #tpu.memory_space<vmem>>, vector<16x128xf32>
    %dot_general3A = arith.constant dense<0.000000e+00> : vector<1000x128xf32>
    %dot_general3A_28 = tpu.matmul %div3A_24, %get3A_27, %dot_general3A {dimension_numbers = #tpu.dot_dimension_numbers<[1], [0], [0], [1], [0, 0, 1, 1], [], []>, precision = #tpu.contract_precision<fp32>, transpose_lhs_hint = false} : vector<1000x16xf32>, vector<16x128xf32>, vector<1000x128xf32> -> vector<1000x128xf32>
    %mul3A = arith.mulf %add3A, %dot_general3A_28 : vector<1000x128xf32>
    %get3A_29 = arith.constant 0 : index
    %get3A_30 = arith.constant 0 : index
    %get3A_31 = vector.load %arg5[%get3A_29, %get3A_30] : memref<1x128xf32, #tpu.memory_space<vmem>>, vector<1x128xf32>
    %add3A_32 = vector.broadcast %get3A_31 : vector<1x128xf32> to vector<1000x128xf32>
    %add3A_33 = arith.addf %mul3A, %add3A_32 : vector<1000x128xf32>
    %get3A_34 = arith.constant 0 : index
    %get3A_35 = arith.constant 0 : index
    %get3A_36 = vector.load %arg1[%get3A_34, %get3A_35] : memref<1000x128xf32, #tpu.memory_space<vmem>>, vector<1000x128xf32>
    %add3A_37 = arith.addf %get3A_36, %add3A_33 : vector<1000x128xf32>
    %reduce_sum3A = arith.constant dense<0.000000e+00> : vector<1000xf32>
    %reduce_sum3A_38 = vector.multi_reduction <add>, %add3A_37, %reduce_sum3A [1] : vector<1000x128xf32> to vector<1000xf32>
    %broadcast_in_dim3A = vector.shape_cast %reduce_sum3A_38 : vector<1000xf32> to vector<1000x1xf32>
    %div3A_39 = arith.constant 1.280000e+02 : f32
    %div3A_40 = vector.broadcast %div3A_39 : f32 to vector<1000x1xf32>
    %div3A_41 = arith.divf %broadcast_in_dim3A, %div3A_40 : vector<1000x1xf32>
    %sub3A = vector.broadcast %div3A_41 : vector<1000x1xf32> to vector<1000x128xf32>
    %sub3A_42 = arith.subf %add3A_37, %sub3A : vector<1000x128xf32>
    %mul3A_43 = arith.mulf %sub3A_42, %sub3A_42 : vector<1000x128xf32>
    %reduce_sum3A_44 = arith.constant dense<0.000000e+00> : vector<1000xf32>
    %reduce_sum3A_45 = vector.multi_reduction <add>, %mul3A_43, %reduce_sum3A_44 [1] : vector<1000x128xf32> to vector<1000xf32>
    %broadcast_in_dim3A_46 = vector.shape_cast %reduce_sum3A_45 : vector<1000xf32> to vector<1000x1xf32>
    %div3A_47 = arith.constant 1.280000e+02 : f32
    %div3A_48 = vector.broadcast %div3A_47 : f32 to vector<1000x1xf32>
    %div3A_49 = arith.divf %broadcast_in_dim3A_46, %div3A_48 : vector<1000x1xf32>
    %add3A_50 = arith.constant 9.99999974E-6 : f32
    %add3A_51 = vector.broadcast %add3A_50 : f32 to vector<1000x1xf32>
    %add3A_52 = arith.addf %div3A_49, %add3A_51 : vector<1000x1xf32>
    %rsqrt3A = math.rsqrt %add3A_52 : vector<1000x1xf32>
    %mul3A_53 = vector.broadcast %rsqrt3A : vector<1000x1xf32> to vector<1000x128xf32>
    %mul3A_54 = arith.mulf %sub3A_42, %mul3A_53 : vector<1000x128xf32>
    %get3A_55 = arith.constant 0 : index
    %get3A_56 = arith.constant 0 : index
    %get3A_57 = vector.load %arg6[%get3A_55, %get3A_56] : memref<1x128xf32, #tpu.memory_space<vmem>>, vector<1x128xf32>
    %mul3A_58 = vector.broadcast %get3A_57 : vector<1x128xf32> to vector<1000x128xf32>
    %mul3A_59 = arith.mulf %mul3A_54, %mul3A_58 : vector<1000x128xf32>
    %get3A_60 = arith.constant 0 : index
    %get3A_61 = arith.constant 0 : index
    %get3A_62 = vector.load %arg7[%get3A_60, %get3A_61] : memref<1x128xf32, #tpu.memory_space<vmem>>, vector<1x128xf32>
    %add3A_63 = vector.broadcast %get3A_62 : vector<1x128xf32> to vector<1000x128xf32>
    %add3A_64 = arith.addf %mul3A_59, %add3A_63 : vector<1000x128xf32>
    %swap3A = arith.constant 0 : index
    %swap3A_65 = arith.constant 0 : index
    %swap3A_66 = vector.load %arg8[%swap3A, %swap3A_65] : memref<1000x128xf32, #tpu.memory_space<vmem>>, vector<1000x128xf32>
    tpu.vector_store %arg8[%swap3A, %swap3A_65], %add3A_64 {strides = array<i32>} : memref<1000x128xf32, #tpu.memory_space<vmem>>, vector<1000x128xf32>,
    return
  }
  func.func @transform_0(%arg0: i32) -> (i32, i32) {
    %c0_i32 = arith.constant 0 : i32
    %c0_i32_0 = arith.constant 0 : i32
    return %arg0, %c0_i32 : i32, i32
  }
  func.func @transform_1(%arg0: i32) -> (i32, i32, i32) {
    %c0_i32 = arith.constant 0 : i32
    %c0_i32_0 = arith.constant 0 : i32
    %c0_i32_1 = arith.constant 0 : i32
    return %c0_i32, %arg0, %c0_i32_0 : i32, i32, i32
  }
  func.func @transform_2(%arg0: i32) -> (i32, i32, i32) {
    %c0_i32 = arith.constant 0 : i32
    %c0_i32_0 = arith.constant 0 : i32
    %c0_i32_1 = arith.constant 0 : i32
    return %c0_i32, %arg0, %c0_i32_0 : i32, i32, i32
  }
  func.func @transform_3(%arg0: i32) -> (i32, i32) {
    %c0_i32 = arith.constant 0 : i32
    %c0_i32_0 = arith.constant 0 : i32
    %c0_i32_1 = arith.constant 0 : i32
    return %c0_i32, %c0_i32_0 : i32, i32
  }
  func.func @transform_4(%arg0: i32) -> (i32, i32) {
    %c0_i32 = arith.constant 0 : i32
    %c0_i32_0 = arith.constant 0 : i32
    %c0_i32_1 = arith.constant 0 : i32
    return %c0_i32, %c0_i32_0 : i32, i32
  }
  func.func @transform_5(%arg0: i32) -> (i32, i32) {
    %c0_i32 = arith.constant 0 : i32
    %c0_i32_0 = arith.constant 0 : i32
    %c0_i32_1 = arith.constant 0 : i32
    return %c0_i32, %c0_i32_0 : i32, i32
  }
  func.func @transform_6(%arg0: i32) -> (i32, i32) {
    %c0_i32 = arith.constant 0 : i32
    %c0_i32_0 = arith.constant 0 : i32
    %c0_i32_1 = arith.constant 0 : i32
    return %c0_i32, %c0_i32_0 : i32, i32
  }
  func.func @transform_7(%arg0: i32) -> (i32, i32) {
    %c0_i32 = arith.constant 0 : i32
    %c0_i32_0 = arith.constant 0 : i32
    return %arg0, %c0_i32 : i32, i32
  }
}

</mosaic_0001>

<sc_bundles>
// kernel: kernel.5.cloned.1.call-start
scs
__scs_entry_jumppad:
0x0: {  	(pc) =	sbr.rel $0x88, $3  }
0x1: {  	(tag) =	ssettag $0x0;
	lr =	simm.s32 $0x1  }
0x2: {  	[smem:$0x3F99] =	sst lr;
	_ =	strace $0xD0000000  }
0x3: {  	_ = 	snop  }
0x4: {  	_ = 	snop  }
0x5: {  	_ = 	snop  }
0x6: {  	_ = 	snop  }
0x7: {  	_ = 	snop  }
__scs_overlays_trampoline_lowered:
0x8: {  	[smem:$0x3FA8] =	sst s0  }
0x9: {  	[smem:$0x3FA9] =	sst s1  }
0xa: {  	[smem:$0x3FAA] =	sst s2  }
0xb: {  	[smem:$0x3FAB] =	sst s3  }
0xc: {  	[smem:$0x3FAC] =	sst s4  }
0xd: {  	[smem:$0x3FAD] =	sst s5  }
0xe: {  	[smem:$0x3FAE] =	sst s6  }
0xf: {  	[smem:$0x3FAF] =	sst s7  }
0x10: {  	[smem:$0x3FB0] =	sst s8  }
0x11: {  	[smem:$0x3FB1] =	sst s9;
	s0 =	simm.s32 @!p0 $0x0  }
0x12: {  	s1 =	sld [smem:$0x3F97];
	s0 =	simm.s32 @p0 $0x1  }
0x13: {  	[smem:$0x3FB2] =	sst s0;
	s0 =	simm.s32 @!p1 $0x0  }
0x14: {  	s2 =	sld [smem:$0x3F96];
	s0 =	simm.s32 @p1 $0x1  }
0x15: {  	[smem:$0x3FB3] =	sst s0;
	s0 =	simm.s32 @!p2 $0x0  }
0x16: {  	s3 =	sld [smem:$0x3FDB];
	s0 =	simm.s32 @p2 $0x1  }
0x17: {  	s4 =	simm.s32 $0x1BF5;
	[smem:$0x3FB5] =	sst s0  }
0x18: {  	s0 =	sld [smem:$0x3F98];
	_ =	swait.ge [sflag:s4], $0x0  }
0x19: {  	s7 =	sld [smem:$0x3F99]  }
0x1a: {  	s8 =	sadd.s32 $0xFFFFE003, lr  }
0x1b: {  	s9 =	sadd.s32 $0xFFFFFEF7, lr;
	s5 =	simm.s32 $0xFFFFFFFF;
	p2 =	slt.u32 s8, $0xFFFFF086  }
0x1c: {  	p1 =	slt.u32 s9, $0xF7A;
	s5 =	simm.s32 @!p2 $0x0  }
0x1d: {  	s5 =	simm.s32 @p1 $0x1;
	p0 =	seq.s32 s7, s2  }
0x1e: {  	s7 =	smul.u32 @!p0 $0xF7A, s2;
	p2 =	seq.s32 @!p0 s5, $0x0  }
0x1f: {  	s9 =	smul.u32 $0xF7A, s1;
	s8 =	simm.s32 @!p0 $0x1BF5;
	p2 =	por !p2, p0  }
0x20: {  	[sflag:s8] =	ssyncset.s32 @!p0 $0xFFFFF086;
	s6 =	sadd.s32 @!p0 s3, s7;
	s7 =	simm.s32 @!p0 $0x108  }
0x21: {  	s3 =	sadd.s32 s3, s9;
	s6 =	sadd.s32 @!p0 $0x88, s6;
	s7 =	simm.s32 @p2 $0x1082  }
0x22: {  	[simem:s7], [sflag:s8] =	dma.local @!p0 [hbm:s6], $0xF7A  }
0x23: {  	s9 =	sor.u32 $0xD0000000, s2;
	s6 =	simm.s32 $0x108;
	_ =	swait.ge @!p0 [sflag:s8], $0x0  }
0x24: {  	s3 =	sadd.s32 $0x88, s3;
	s6 =	simm.s32 @!p1 $0x1082;
	[sflag:s4] =	ssyncset.s32 $0xFFFFF086  }
0x25: {  	[simem:s6], [sflag:s4] =	dma.local [hbm:s3], $0xF7A  }
0x26: {  	[smem:$0x3F99] =	sst s1;
	(tag) =	ssettag s2;
	_ =	strace s9  }
0x27: {  	s1 =	sld [smem:$0x3FA9]  }
0x28: {  	s2 =	sld [smem:$0x3FAA]  }
0x29: {  	s4 =	sld [smem:$0x3FAC]  }
0x2a: {  	p0 =	seq.s32 s5, $0x0;
	s5 =	sld [smem:$0x3FAD]  }
0x2b: {  	s6 =	sld [smem:$0x3FAE]  }
0x2c: {  	s7 =	sld [smem:$0x3FAF]  }
0x2d: {  	s3 =	simm.s32 $0x108;
	s8 =	sld [smem:$0x3FB0]  }
0x2e: {  	s3 =	simm.s32 @!p0 $0x1082;
	s9 =	sld [smem:$0x3FB1]  }
0x2f: {  	lr =	sadd.s32 s0, s3;
	s0 =	sld [smem:$0x3FA8]  }
0x30: {  	s3 =	sld [smem:$0x3FAB]  }
0x31: {  	[smem:$0x3FB4] =	sst s10  }
0x32: {  	s10 =	sld [smem:$0x3FB2];
	_ =	sdelay $0x3  }
0x33: {  	p0 =	seq.s32 s10, $0x1;
	s10 =	sld [smem:$0x3FB4];
	_ =	sdelay $0x3  }
0x34: {  	[smem:$0x3FB4] =	sst s10  }
0x35: {  	s10 =	sld [smem:$0x3FB3];
	_ =	sdelay $0x3  }
0x36: {  	p1 =	seq.s32 s10, $0x1;
	s10 =	sld [smem:$0x3FB4];
	_ =	sdelay $0x3  }
0x37: {  	[smem:$0x3FB4] =	sst s10  }
0x38: {  	s10 =	sld [smem:$0x3FB5]  }
0x39: {  	_ = 	snop;
	(pc) =	sbr.ind lr, $3  }
0x3a: {  	_ = 	snop  }
0x3b: {  	_ = 	snop  }
0x3c: {  	p2 =	seq.s32 s10, $0x1;
	s10 =	sld [smem:$0x3FB4]  }
0x3d: {  	_ =	shalt  }
0x3e: {  	_ =	shalt  }
0x3f: {  	_ =	shalt  }
0x40: {  	_ =	shalt  }
0x41: {  	_ =	shalt  }
0x42: {  	_ =	shalt  }
0x43: {  	_ =	shalt  }
0x44: {  	_ =	shalt  }
0x45: {  	_ =	shalt  }
0x46: {  	_ =	shalt  }
0x47: {  	_ =	shalt  }
0x48: {  	_ =	shalt  }
0x49: {  	_ =	shalt  }
0x4a: {  	_ =	shalt  }
0x4b: {  	_ =	shalt  }
0x4c: {  	_ =	shalt  }
0x4d: {  	_ =	shalt  }
0x4e: {  	_ =	shalt  }
0x4f: {  	_ =	shalt  }
0x50: {  	_ =	shalt  }
0x51: {  	_ =	shalt  }
0x52: {  	_ =	shalt  }
0x53: {  	_ =	shalt  }
0x54: {  	_ =	shalt  }
0x55: {  	_ =	shalt  }
0x56: {  	_ =	shalt  }
0x57: {  	_ =	shalt  }
0x58: {  	_ =	shalt  }
0x59: {  	_ =	shalt  }
0x5a: {  	_ =	shalt  }
0x5b: {  	_ =	shalt  }
0x5c: {  	_ =	shalt  }
0x5d: {  	_ =	shalt  }
0x5e: {  	_ =	shalt  }
0x5f: {  	_ =	shalt  }
0x60: {  	_ =	shalt  }
0x61: {  	_ =	shalt  }
0x62: {  	_ =	shalt  }
0x63: {  	_ =	shalt  }
0x64: {  	_ =	shalt  }
0x65: {  	_ =	shalt  }
0x66: {  	_ =	shalt  }
0x67: {  	_ =	shalt  }
0x68: {  	_ =	shalt  }
0x69: {  	_ =	shalt  }
0x6a: {  	_ =	shalt  }
0x6b: {  	_ =	shalt  }
0x6c: {  	_ =	shalt  }
0x6d: {  	_ =	shalt  }
0x6e: {  	_ =	shalt  }
0x6f: {  	_ =	shalt  }
0x70: {  	_ =	shalt  }
0x71: {  	_ =	shalt  }
0x72: {  	_ =	shalt  }
0x73: {  	_ =	shalt  }
0x74: {  	_ =	shalt  }
0x75: {  	_ =	shalt  }
0x76: {  	_ =	shalt  }
0x77: {  	_ =	shalt  }
0x78: {  	_ =	shalt  }
0x79: {  	_ =	shalt  }
0x7a: {  	_ =	shalt  }
0x7b: {  	_ =	shalt  }
0x7c: {  	_ =	shalt  }
0x7d: {  	_ =	shalt  }
0x7e: {  	_ =	shalt  }
0x7f: {  	_ =	shalt  }
0x80: {  	_ =	shalt  }
0x81: {  	_ =	shalt  }
0x82: {  	_ =	shalt  }
0x83: {  	_ =	shalt  }
0x84: {  	_ =	shalt  }
0x85: {  	_ =	shalt  }
0x86: {  	_ =	shalt  }
0x87: {  	_ =	shalt  }
.Lfunc_end0:
.L_simem_size_0:
called_computation_lowered:
.L_overlay_start_0:
0x88: {  	s2 =	sld [smem:$0x3FD9]  }
0x89: {  	s3 =	sld [smem:$0x3FFE];
	_ =	sdelay $0x1  }
0x8a: {  	s1 =	srdreg.scid  }
0x8b: {  	s0 =	sand.u32 $0x1, s1  }
0x8c: {  	s17 =	sshll.u32 s0, $0xA;
	s2 =	sadd.s32 s3, s2  }
0x8d: {  	s2 =	sadd.s32 s2, s17  }
0x8e: {  	[smem:$0x3FC0] =	sst s2  }
0x8f: {  	_ = 	snop  }
0x90: {  	s2 =	sld [smem:$0x3FD0];
	(tm) =	ssettm $0x1  }
0x91: {  	s18 =	sld [smem:$0x3FFB];
	_ =	sdelay $0x3  }
0x92: {  	_ =	strace s18  }
0x93: {  	s3 =	sld [smem:$0x3FFC];
	_ =	sdelay $0x3  }
0x94: {  	_ =	strace s3  }
0x95: {  	s3 =	sld [smem:$0x3FFD];
	_ =	sdelay $0x3  }
0x96: {  	_ =	strace s3  }
0x97: {  	_ =	strace $0x8FFFFFFF  }
0x98: {  	s19 =	sld [smem:$0x3FDB];
	_ =	sdelay $0x1  }
0x99: {  	s4 =	simm.s32 $_scs_section_size  }
0x9a: {  	s5 =	simm.s32 $_size__tile_overlayer_lowered;
	s6 =	simm.s32 $_tile_overlayer_lowered  }
0x9b: {  	s22 =	simm.s32 $0x1BFF;
	s21 =	sshll.u32 s6, $0x1;
	s3 =	sadd.s32 s4, s19  }
0x9c: {  	s7 =	simm.s32 $0x0;
	s20 =	sshll.u32 s5, $0x1;
	s5 =	sadd.s32 s21, s3  }
0x9d: {  	[timem:s7], [sflag:s22] =	dma.local [hbm:s5], s20  }
0x9e: {  	_ =	swait.ge [sflag:s22], s20  }
0x9f: {  	s4 =	ssub.s32 $0x0, s20;
	[sflag:s22] =	ssyncset.done $0x0  }
0xa0: {  	[sflag:s22] =	ssyncadd.s32 s4;
	_ =	sdelay $0x1  }
0xa1: {  	s23 =	simm.s32 $0x1B8B  }
0xa2: {  	_ =	swait.ge [sflag:s23], $0x1  }
0xa3: {  	[sflag:s23] =	ssyncset.done $0x0  }
0xa4: {  	s25 =	simm.s32 $0x1B8E;
	s24 =	sld [smem:$0x3FFE];
	[sflag:s23] =	ssyncadd.s32 $0xFFFFFFFF  }
0xa5: {  	s26 =	simm.s32 $execute0_lowered;
	[smem:$0x3FD2] =	sst s25  }
0xa6: {  	s5 =	sshll.u32 s26, $0x1;
	_ =	strace $0x80000046;
	[dreg:$0x1] =	wrdreg $0xFFFFFFFF  }
0xa7: {  	s28 =	simm.s32 $_size_execute0_lowered;
	s3 =	sadd.s32 s3, s5;
	[dreg:$0x0] =	wrdreg $0x0  }
0xa8: {  	s5 =	sshll.u32 s28, $0x1;
	[dreg:$0x2] =	wrdreg s3  }
0xa9: {  	[dreg:$0x3] =	wrdreg s5  }
0xaa: {  	[dreg:$0x4] =	wrdreg $0xC0  }
0xab: {  	_ =	task [dreg:s7], $0x5FFFF  }
0xac: {  	[dreg:$0x1] =	wrdreg $0xFFFFFFFF  }
0xad: {  	[dreg:$0x0] =	wrdreg $0x60  }
0xae: {  	[dreg:$0x2] =	wrdreg s24  }
0xaf: {  	[dreg:$0x3] =	wrdreg s2  }
0xb0: {  	[dreg:$0x4] =	wrdreg $0x75000  }
0xb1: {  	[dreg:$0x5] =	wrdreg $0x1B5000  }
0xb2: {  	[dreg:$0x6] =	wrdreg $0x9  }
0xb3: {  	_ =	task.clear_ibuf [dreg:s7], $0x7FFFF;
	_ =	strace $0x90000046  }
0xb4: {  	s29 =	simm.s32 $0x9;
	_ =	strace $0x80000048  }
0xb5: {  	_ =	swait.ge [sflag:s29], $0x1  }
0xb6: {  	[sflag:s29] =	ssyncadd.s32 $0xFFFFFFFF  }
0xb7: {  	_ =	strace $0x90000048  }
0xb8: {  	_ =	sfence  }
0xb9: {  	s30 =	sld [smem:$0x0];
	_ =	sdelay $0x2  }
0xba: {  	s31 =	sshll.u32 s1, $0xD;
	s1 =	sshrl.u32 s1, $0x2  }
0xbb: {  	s3 =	sand.u32 $0x4000, s31;
	s1 =	sadd.s32 s1, s30  }
0xbc: {  	s0 =	sor.u32 s3, s0;
	s1 =	sshll.u32 s1, $0x11  }
0xbd: {  	s0 =	sor.u32 s1, s0  }
0xbe: {  	s0 =	sadd.s32 $0x8F2B, s0  }
0xbf: {  	[sflag:s0] =	ssyncadd.remote.s32 $0x1  }
0xc0: {  	_ =	sfence.sel $0xFFFF  }
0xc1: {  	[dreg:$0x0] =	wrdreg $0xFFFFFFFF;
	(pc) =	sbr.abs _section_cstart, $3  }
0xc2: {  	[dreg:$0x1] =	wrdreg $0xFFFFFFFF  }
0xc3: {  	_ =	task.clear_ibuf [dreg:s7], $0x2FFFF;
	_ =	strace $0x9FFFFFFF  }
0xc4: {  	(tm) =	ssettm $0x7FFFFFFF  }
0xc5: {  	_ =	shalt  }
tec
execute0_lowered:
.L_overlay_start_1:
0x0: {  	(tag) =	ssettag $0x1  }
0x1: {  	s0 =	rddreg [dreg:$0x0]  }
0x2: {  	s1 =	rddreg [dreg:$0x1]  }
0x3: {  	s3 =	rddreg [dreg:$0x2];
	s2 =	srdreg.scid  }
0x4: {  	s17 =	stileid.u32;
	s4 =	rddreg [dreg:$0x3]  }
0x5: {  	s5 =	simm.s32 $0x0;
	s28 =	simm.s32 $0x80;
	s29 =	simm.s32 $0x4000  }
0x6: {  	s30 =	simm.s32 $0x4800;
	s31 =	simm.s32 $0x1;
	s9 =	smul.u32 $0x14000, s17  }
0x7: {  	s2 =	sand.u32 $0x1, s2;
	[smem:$0x7FF] =	sst s5;
	s11 =	smul.u32 $0x2800, s17  }
0x8: {  	s6 =	sadd.s32 $0x800, s0;
	s7 =	sadd.s32 $0x28800, s0;
	s15 =	smul.u32 $0x280, s17  }
0x9: {  	s8 =	sadd.s32 $0x2D800, s0;
	s10 =	smul.u32 $0x140000, s2;
	_ =	strace $0x80000047  }
0xa: {  	s12 =	smul.u32 $0x28000, s2;
	s13 =	ssub.s32 $0x2, s2;
	s2 =	sshll.u32 s2, $0x4  }
0xb: {  	s14 =	sshrl.u32 s13, $0x1;
	s18 =	sadd.s32 $0x100, s15;
	s21 =	sadd.s32 $0x180, s15  }
0xc: {  	s24 =	sadd.s32 $0x200, s15;
	s2 =	sor.u32 s17, s2;
	s10 =	sadd.s32 s9, s10  }
0xd: {  	s12 =	sadd.s32 s11, s12;
	s9 =	sadd.s32 s9, s3;
	s19 =	sshll.u32 s18, $0x7  }
0xe: {  	s20 =	sshll.u32 s18, $0x4;
	s22 =	sshll.u32 s21, $0x7;
	s10 =	sshrl.u32 s10, $0x3  }
0xf: {  	s25 =	sshll.u32 s24, $0x7;
	s12 =	sshrl.u32 s12, $0x3;
	s16 =	sadd.s32 s10, s0  }
0x10: {  	s0 =	sadd.s32 s12, s0;
	s12 =	ssub.s32 s13, s14;
	s13 =	sadd.s32 $0x80, s15  }
0x11: {  	s10 =	sadd.s32 s11, s4;
	s14 =	sshll.u32 s13, $0x7;
	s26 =	sadd.s32 $0x41A00, s16  }
0x12: {  	s11 =	sshll.u32 s13, $0x4;
	s13 =	sadd.s32 s14, s3;
	[dreg:$0xd] =	wrdreg s26  }
0x13: {  	s11 =	sadd.s32 s11, s4;
	s26 =	simm.s32 $0x6780;
	[dreg:$0x5] =	wrdreg s13  }
0x14: {  	[dreg:$0x6] =	wrdreg s11;
	s11 =	sadd.s32 s19, s3;
	s13 =	sshll.u32 s21, $0x4  }
0x15: {  	s19 =	smul.u32 $0x51, s2;
	[dreg:$0x7] =	wrdreg s11;
	s11 =	sadd.s32 s20, s4  }
0x16: {  	s21 =	sadd.s32 $0x37A00, s0;
	s23 =	sadd.s32 s13, s4;
	[dreg:$0x8] =	wrdreg s11  }
0x17: {  	s2 =	simm.s32 $0x2;
	s13 =	sadd.s32 s25, s3;
	[dreg:$0xa] =	wrdreg s23  }
0x18: {  	s0 =	simm.s32 $0x3;
	s11 =	sadd.s32 s22, s3;
	[dreg:$0xb] =	wrdreg s13  }
0x19: {  	v0 =	vlaneseq.u32;
	s25 =	simm.s32 $0x5A00;
	[dreg:$0x9] =	wrdreg s11;
	s11 =	sshll.u32 s24, $0x4  }
0x1a: {  	v2 =	vshrl.u32 v0, $0x2;
	v0 =	vand.u32 $0x3, v0;
	s22 =	smax.u32 s12, $0x1;
	s23 =	simm.s32 $0x4;
	s11 =	sadd.s32 s11, s4  }
0x1b: {  	v1 =	vimm.f32 $0.0e+00;
	v2 =	vmul.u32 $0x10, v2;
	v3 =	vor.u32 $0x4, v0;
	s24 =	simm.s32 $0x5000;
	[dreg:$0xc] =	wrdreg s11;
	s11 =	simm.s32 $0x0  }
.LBB2_1:
0x1c: {  	s12 =	simm.s32 $0x0;
	s13 =	simm.s32 $0x200  }
.LBB2_2:
0x1d: {  	p0 =	sne.s32 s13, $0xFE00;
	[tilespmem:s12+$0x70] =	vst v1  }
0x1e: {  	[tilespmem:s12+$0x0] =	vst v1  }
0x1f: {  	[tilespmem:s12+$0x10] =	vst v1  }
.Ltmp0:
0x20: {  	[tilespmem:s12+$0x20] =	vst v1;
	(pc) =	sbr.rel @p0 .LBB2_2-.Ltmp0, $4  }
0x21: {  	[tilespmem:s12+$0x30] =	vst v1  }
0x22: {  	[tilespmem:s12+$0x40] =	vst v1  }
0x23: {  	[tilespmem:s12+$0x50] =	vst v1  }
0x24: {  	[tilespmem:s12+$0x60] =	vst v1;
	s12 =	sshra.s32 s13, $0x2;
	s13 =	sadd.s32 $0x200, s13  }
0x25: {  	[tilespmem:s12+$0x70] =	vst v1  }
0x26: {  	[tilespmem:s12+$0x0] =	vst v1  }
0x27: {  	[tilespmem:s12+$0x10] =	vst v1  }
0x28: {  	[tilespmem:s12+$0x20] =	vst v1  }
0x29: {  	[tilespmem:s12+$0x30] =	vst v1  }
0x2a: {  	[tilespmem:s12+$0x40] =	vst v1  }
0x2b: {  	[tilespmem:s12+$0x50] =	vst v1  }
0x2c: {  	[tilespmem:s12+$0x60] =	vst v1;
	s12 =	simm.s32 $0x40;
	s13 =	simm.s32 $0x0  }
.LBB2_4:
0x2d: {  	p0 =	sne.s32 s12, $0x1FC0;
	[tilespmem:s13+$0x5000] =	vst v1;
	s13 =	smov.u32 s12;
	s12 =	sadd.s32 $0x40, s12  }
.Ltmp1:
0x2e: {  	(pc) =	sbr.rel @p0 .LBB2_4-.Ltmp1, $2  }
0x2f: {  	_ =	sdelay $0x2  }
0x30: {  	s13 =	sshra.s32 s13, $0x2  }
0x31: {  	[tilespmem:s13+$0x5000] =	vst v1;
	s12 =	simm.s32 $0x0  }
0x32: {  	[spmem:s9] =	stream.linear.scatter [tilespmem:s12], [sflag:$0x4], $0x4000, $0x38;
	[tilespmem:$0x1DD00] =	vst v63  }
0x33: {  	_ =	swait.ge [sflag:s23], $0x4000  }
0x34: {  	[sflag:s23] =	ssyncset.done $0x0  }
0x35: {  	[sflag:s23] =	ssyncadd.s32 $0xFFFFC000  }
0x36: {  	[spmem:s10] =	stream.linear.scatter [tilespmem:s24], [sflag:$0x4], $0x800, $0x38;
	[tilespmem:$0x1DD00] =	vst v63  }
0x37: {  	_ =	swait.ge [sflag:s23], $0x800  }
0x38: {  	[sflag:s23] =	ssyncset.done $0x0  }
0x39: {  	s18 =	rddreg [dreg:$0x5];
	[sflag:s23] =	ssyncadd.s32 $0xFFFFF800  }
0x3a: {  	[spmem:s18] =	stream.linear.scatter [tilespmem:s12], [sflag:$0x4], $0x4000, $0x38;
	[tilespmem:$0x1DD00] =	vst v63  }
0x3b: {  	_ =	swait.ge [sflag:s23], $0x4000  }
0x3c: {  	[sflag:s23] =	ssyncset.done $0x0  }
0x3d: {  	s20 =	rddreg [dreg:$0x6];
	[sflag:s23] =	ssyncadd.s32 $0xFFFFC000  }
0x3e: {  	[spmem:s20] =	stream.linear.scatter [tilespmem:s24], [sflag:$0x4], $0x800, $0x38;
	[tilespmem:$0x1DD00] =	vst v63  }
0x3f: {  	_ =	swait.ge [sflag:s23], $0x800  }
0x40: {  	[sflag:s23] =	ssyncset.done $0x0  }
0x41: {  	s14 =	rddreg [dreg:$0x7];
	[sflag:s23] =	ssyncadd.s32 $0xFFFFF800  }
0x42: {  	[spmem:s14] =	stream.linear.scatter [tilespmem:s12], [sflag:$0x4], $0x4000, $0x38;
	[tilespmem:$0x1DD00] =	vst v63  }
0x43: {  	_ =	swait.ge [sflag:s23], $0x4000  }
0x44: {  	[sflag:s23] =	ssyncset.done $0x0  }
0x45: {  	s15 =	rddreg [dreg:$0x8];
	[sflag:s23] =	ssyncadd.s32 $0xFFFFC000  }
0x46: {  	[spmem:s15] =	stream.linear.scatter [tilespmem:s24], [sflag:$0x4], $0x800, $0x38;
	[tilespmem:$0x1DD00] =	vst v63  }
0x47: {  	_ =	swait.ge [sflag:s23], $0x800  }
0x48: {  	[sflag:s23] =	ssyncset.done $0x0  }
0x49: {  	s16 =	rddreg [dreg:$0x9];
	[sflag:s23] =	ssyncadd.s32 $0xFFFFF800  }
0x4a: {  	[spmem:s16] =	stream.linear.scatter [tilespmem:s12], [sflag:$0x4], $0x4000, $0x38;
	[tilespmem:$0x1DD00] =	vst v63  }
0x4b: {  	_ =	swait.ge [sflag:s23], $0x4000  }
0x4c: {  	[sflag:s23] =	ssyncset.done $0x0  }
0x4d: {  	s17 =	rddreg [dreg:$0xa];
	[sflag:s23] =	ssyncadd.s32 $0xFFFFC000  }
0x4e: {  	[spmem:s17] =	stream.linear.scatter [tilespmem:s24], [sflag:$0x4], $0x800, $0x38;
	[tilespmem:$0x1DD00] =	vst v63  }
0x4f: {  	_ =	swait.ge [sflag:s23], $0x800  }
0x50: {  	[sflag:s23] =	ssyncset.done $0x0  }
0x51: {  	s18 =	rddreg [dreg:$0xb];
	[sflag:s23] =	ssyncadd.s32 $0xFFFFF800  }
0x52: {  	[spmem:s18] =	stream.linear.scatter [tilespmem:s12], [sflag:$0x4], $0x4000, $0x38;
	[tilespmem:$0x1DD00] =	vst v63  }
0x53: {  	_ =	swait.ge [sflag:s23], $0x4000  }
0x54: {  	[sflag:s23] =	ssyncset.done $0x0  }
0x55: {  	s20 =	rddreg [dreg:$0xc];
	[sflag:s23] =	ssyncadd.s32 $0xFFFFC000  }
0x56: {  	[spmem:s20] =	stream.linear.scatter [tilespmem:s24], [sflag:$0x4], $0x800, $0x38;
	[tilespmem:$0x1DD00] =	vst v63  }
0x57: {  	_ =	swait.ge [sflag:s23], $0x800  }
0x58: {  	[sflag:s23] =	ssyncset.done $0x0  }
0x59: {  	[sflag:s23] =	ssyncadd.s32 $0xFFFFF800  }
0x5a: {  	s13 =	simm.s32 $0x0;
	[bflag:$0x0] =	sbarrier.arrive $0xFFFF  }
.LBB2_6:
0x5b: {  	s14 =	smul.u32 $0x1B, s13;
	_ =	sdelay $0x1  }
0x5c: {  	s14 =	sadd.s32 s19, s14  }
0x5d: {  	s14 =	sshll.u32 s14, $0x4  }
0x5e: {  	s15 =	sadd.s32 s1, s14  }
0x5f: {  	[tilespmem:s25], [sflag:$0x4] =	stream.linear.gather [hbm4b:s15+s12], $0xD80, $0x38;
	[tilespmem:$0x1DD00] =	vst v63  }
0x60: {  	_ =	swait.ge [sflag:s23], $0xD80  }
0x61: {  	[sflag:s23] =	ssyncset.done $0x0  }
0x62: {  	s14 =	sadd.s32 s8, s14;
	[sflag:s23] =	ssyncadd.s32 $0xFFFFF280  }
0x63: {  	[tilespmem:s26], [sflag:$0x4] =	stream.linear.gather [hbm4b:s14+s12], $0xD80, $0x38;
	[tilespmem:$0x1DD00] =	vst v63  }
0x64: {  	_ =	swait.ge [sflag:s23], $0xD80  }
0x65: {  	[sflag:s23] =	ssyncset.done $0x0  }
0x66: {  	s14 =	simm.s32 $0x0;
	[sflag:s23] =	ssyncadd.s32 $0xFFFFF280  }
.LBB2_7:
0x67: {  	s15 =	sshll.u32 s14, $0x7  }
0x68: {  	s17 =	simm.s32 $0x0;
	s16 =	sadd.s32 $0x5A00, s15  }
0x69: {  	[tilespmem:s17], [sflag:$0x2] =	stream.indirect.gather [hbm4b:s6+s28], $0x80, s16, s28, $0xb8;
	[tilespmem:$0x1DD00] =	vst v63  }
0x6a: {  	_ = 	snop  }
0x6b: {  	[tilespmem:s29], [sflag:$0x1] =	stream.indirect.gather [hbm4b:s7+s28], $0x10, s16, s28, $0xb8;
	[tilespmem:$0x1DD00] =	vst v63  }
0x6c: {  	s15 =	sadd.s32 $0x6780, s15;
	v4 =	vmov s17  }
0x6d: {  	v4 =	vshll.u32 v4, $0x4;
	[tilespmem:s30], [sflag:$0x1] =	stream.indirect.gather [hbm4b:s7+s28], $0x10, s15, s28, $0xb8;
	[tilespmem:$0x1DD00] =	vst v63  }
0x6e: {  	v4 =	vor.u32 v2, v4;
	_ =	swait.ge [sflag:s31], $0x800  }
0x6f: {  	v5 =	vor.u32 v3, v4;
	[sflag:s31] =	ssyncset.done $0x0  }
0x70: {  	v6 =	vor.u32 v0, v4;
	[sflag:s31] =	ssyncadd.s32 $0xFFFFF800  }
0x71: {  	_ =	swait.ge [sflag:s31], $0x800  }
0x72: {  	[sflag:s31] =	ssyncset.done $0x0  }
0x73: {  	[sflag:s31] =	ssyncadd.s32 $0xFFFFF800  }
0x74: {  	v4 =	vld.idx.msk [tilespmem:v5+s30+$0x0], $0xffff  }
0x75: {  	v5 =	vld.idx.msk [tilespmem:v6+s29+$0x0], $0xffff;
	_ =	sdelay $0x4  }
0x76: {  	v4 =	vadd.f32 v4, v5;
	_ =	sdelay $0x1  }
0x77: {  	v5 =	vmul.f32 $2.000000030e-01, v4  }
0x78: {  	vm0 =	vgt.f32 v4, $0.0e+00  }
0x79: {  	v4 =	vsel vm0, v4, v5  }
0x7a: {  	v4 =	vmul.f32 $1.442695020e+00, v4;
	_ =	sdelay $0x1  }
0x7b: {  	(erf) = vpow2.f32 v4;
	_ =	sdelay $0x2  }
0x7c: {  	s18 =	simm.s32 $0x4  }
0x7d: {  	v4 =	vmov s18  }
0x7e: {  	v4 =	vshll.u32 v4, $0x4  }
0x7f: {  	v4 =	vor.u32 v2, v4  }
0x80: {  	v5 =	vor.u32 v3, v4  }
0x81: {  	v4 =	vor.u32 v0, v4  }
0x82: {  	v7 =	vpop (erf)  }
0x83: {  	s16 =	simm.s32 $0x5800;
	[tilespmem:v6+s24+$0x0] =	vst.idx.msk $0xffff, v7  }
0x84: {  	[tilespmem:s16+$0x0] =	vst v7  }
0x85: {  	v5 =	vld.idx.msk [tilespmem:v5+s30+$0x0], $0xffff  }
0x86: {  	v6 =	vld.idx.msk [tilespmem:v4+s29+$0x0], $0xffff;
	_ =	sdelay $0x4  }
0x87: {  	v5 =	vadd.f32 v5, v6;
	_ =	sdelay $0x1  }
0x88: {  	v6 =	vmul.f32 $2.000000030e-01, v5  }
0x89: {  	vm15 =	vgt.f32 v5, $0.0e+00  }
0x8a: {  	v5 =	vsel vm15, v5, v6  }
0x8b: {  	v5 =	vmul.f32 $1.442695020e+00, v5;
	_ =	sdelay $0x1  }
0x8c: {  	(erf) = vpow2.f32 v5;
	_ =	sdelay $0x2  }
0x8d: {  	s20 =	simm.s32 $0x8  }
0x8e: {  	v6 =	vmov s20  }
0x8f: {  	v6 =	vshll.u32 v6, $0x4  }
0x90: {  	s17 =	simm.s32 $0xC;
	v5 =	vor.u32 v2, v6  }
.LBB2_8:
0x91: {  	p0 =	sne.s32 s17, $0x7C;
	v6 =	vor.u32 v3, v5  }
0x92: {  	v5 =	vor.u32 v0, v5  }
0x93: {  	v7 =	vpop (erf)  }
0x94: {  	s16 =	sadd.s32 $0x10, s16;
	[tilespmem:v4+s24+$0x0] =	vst.idx.msk $0xffff, v7;
	v4 =	vmov v5  }
0x95: {  	[tilespmem:s16+$0x0] =	vst v7  }
0x96: {  	v6 =	vld.idx.msk [tilespmem:v6+s30+$0x0], $0xffff  }
0x97: {  	v5 =	vld.idx.msk [tilespmem:v5+s29+$0x0], $0xffff;
	_ =	sdelay $0x5  }
0x98: {  	v5 =	vadd.f32 v6, v5;
	_ =	sdelay $0x1  }
0x99: {  	v6 =	vmul.f32 $2.000000030e-01, v5  }
0x9a: {  	vm0 =	vgt.f32 v5, $0.0e+00  }
0x9b: {  	v5 =	vsel vm0, v5, v6  }
0x9c: {  	v5 =	vmul.f32 $1.442695020e+00, v5;
	_ =	sdelay $0x1  }
0x9d: {  	(erf) = vpow2.f32 v5;
	_ =	sdelay $0x1  }
.Ltmp2:
0x9e: {  	(pc) =	sbr.rel @p0 .LBB2_8-.Ltmp2, $4  }
0x9f: {  	_ = 	snop  }
0xa0: {  	v5 =	vmov s17  }
0xa1: {  	v5 =	vshll.u32 v5, $0x4  }
0xa2: {  	s17 =	sadd.s32 $0x4, s17;
	v5 =	vor.u32 v2, v5  }
0xa3: {  	_ = 	snop  }
0xa4: {  	v6 =	vor.u32 v3, v5  }
0xa5: {  	v5 =	vor.u32 v0, v5  }
0xa6: {  	v7 =	vpop (erf)  }
0xa7: {  	s16 =	sadd.s32 $0x10, s16;
	[tilespmem:v4+s24+$0x0] =	vst.idx.msk $0xffff, v7  }
0xa8: {  	[tilespmem:s16+$0x0] =	vst v7  }
0xa9: {  	v4 =	vld.idx.msk [tilespmem:v6+s30+$0x0], $0xffff  }
0xaa: {  	v6 =	vld.idx.msk [tilespmem:v5+s29+$0x0], $0xffff;
	_ =	sdelay $0x4  }
0xab: {  	v4 =	vadd.f32 v4, v6;
	_ =	sdelay $0x1  }
0xac: {  	v6 =	vmul.f32 $2.000000030e-01, v4  }
0xad: {  	vm0 =	vgt.f32 v4, $0.0e+00  }
0xae: {  	v4 =	vsel vm0, v4, v6  }
0xaf: {  	v4 =	vmul.f32 $1.442695020e+00, v4;
	_ =	sdelay $0x1  }
0xb0: {  	(erf) = vpow2.f32 v4;
	_ =	sdelay $0x8  }
0xb1: {  	v4 =	vpop (erf)  }
0xb2: {  	s16 =	sadd.s32 $0x10, s16;
	[tilespmem:v5+s24+$0x0] =	vst.idx.msk $0xffff, v4  }
0xb3: {  	[tilespmem:s16+$0x0] =	vst v4  }
0xb4: {  	[spmem:s4] =	stream.indirect.scatter.add.f32 [tilespmem:s24], [sflag:$0x3], $0x10, s15, s28, $0xb8;
	[tilespmem:$0x1DD00] =	vst v63  }
0xb5: {  	_ =	swait.ge [sflag:s2], $0x4000  }
0xb6: {  	[sflag:s2] =	ssyncset.done $0x0  }
0xb7: {  	s16 =	simm.s32 $0x100;
	[sflag:s2] =	ssyncadd.s32 $0xFFFFC000  }
0xb8: {  	v9 =	vld [tilespmem:s16+$0xFFFFFFA0]  }
0xb9: {  	v7 =	vld [tilespmem:s16+$0xFFFFFFF0]  }
0xba: {  	v4 =	vld [tilespmem:s16+$0xFFFFFF60]  }
0xbb: {  	v10 =	vld [tilespmem:s16+$0xFFFFFFD0]  }
0xbc: {  	v11 =	vld [tilespmem:s16+$0x80]  }
0xbd: {  	v14 =	vld [tilespmem:s16+$0xFFFFFF10]  }
0xbe: {  	v18 =	vld [tilespmem:s16+$0xE0]  }
0xbf: {  	v13 =	vld [tilespmem:s16+$0xFFFFFF40]  }
0xc0: {  	s17 =	simm.s32 $0x0;
	v5 =	vld [tilespmem:s16+$0xFFFFFF90]  }
0xc1: {  	v6 =	vld [tilespmem:s17+$0x5800]  }
0xc2: {  	v12 =	vld [tilespmem:s16+$0xFFFFFFC0]  }
0xc3: {  	v15 =	vld [tilespmem:s16+$0xFFFFFF00]  }
0xc4: {  	v16 =	vld [tilespmem:s16+$0xD0]  }
0xc5: {  	v25 =	vld [tilespmem:s16+$0xC0]  }
0xc6: {  	v23 =	vld [tilespmem:s16+$0x90];
	v21 =	vbroadcast v6, $0x0;
	v8 =	vbroadcast v6, $0xF  }
0xc7: {  	v24 =	vld [tilespmem:s16+$0xFFFFFF50];
	v22 =	vbroadcast v6, $0x2;
	v20 =	vbroadcast v6, $0xE  }
0xc8: {  	v19 =	vld [tilespmem:s16+$0xB0];
	v17 =	vbroadcast v6, $0xC;
	v27 =	vmul.f32 v21, v15  }
0xc9: {  	s18 =	simm.s32 $0x100;
	s17 =	simm.s32 $0x40;
	v15 =	vbroadcast v6, $0xD;
	v26 =	vmul.f32 v13, v22;
	v13 =	vld [tilespmem:s16+$0x60]  }
.LBB2_10:
0xca: {  	p0 =	sne.s32 s17, $0x7C0  }
0xcb: {  	[tilespmem:s16+$0xFFFFFF00] =	vst v27;
	v27 =	vld [tilespmem:s16+$0xFFFFFFB0];
	v25 =	vmul.f32 v25, v20;
	v18 =	vmul.f32 v18, v8;
	s18 =	sadd.s32 $0x200, s18;
	s20 =	smov.u32 s17;
	s17 =	sadd.s32 $0x40, s17  }
0xcc: {  	[tilespmem:s16+$0xFFFFFF40] =	vst v26;
	v26 =	vbroadcast v6, $0xA;
	v23 =	vmul.f32 v23, v17;
	v28 =	vld [tilespmem:s16+$0xA0]  }
0xcd: {  	v14 =	vmul.f32 v14, v21;
	v21 =	vmul.f32 v24, v22;
	v22 =	vld [tilespmem:s16+$0x70];
	[tilespmem:s16+$0xE0] =	vst v18  }
0xce: {  	v18 =	vbroadcast v6, $0x5;
	v24 =	vld [tilespmem:s16+$0xFFFFFFE0];
	v19 =	vmul.f32 v19, v15;
	[tilespmem:s16+$0xC0] =	vst v25  }
0xcf: {  	v16 =	vmul.f32 v16, v20;
	[tilespmem:s16+$0xFFFFFF10] =	vst v14;
	v14 =	vbroadcast v6, $0x6;
	v25 =	vld [tilespmem:s16+$0x40]  }
0xd0: {  	v29 =	vbroadcast v6, $0xB;
	v9 =	vmul.f32 v9, v18;
	v20 =	vld [tilespmem:s16+$0xFFFFFF20];
	[tilespmem:s16+$0x90] =	vst v23  }
0xd1: {  	v23 =	vbroadcast v6, $0x9;
	[tilespmem:s16+$0xFFFFFF50] =	vst v21;
	v21 =	vld [tilespmem:s16+$0x20];
	v15 =	vmul.f32 v28, v15  }
0xd2: {  	v18 =	vmul.f32 v27, v18;
	v27 =	vld [tilespmem:s16+$0x50];
	v22 =	vmul.f32 v22, v29;
	[tilespmem:s16+$0xD0] =	vst v16  }
0xd3: {  	v11 =	vmul.f32 v11, v17;
	v16 =	vbroadcast v6, $0x7;
	v28 =	vld [tilespmem:s16+$0x30];
	[tilespmem:s16+$0xA0] =	vst v15  }
0xd4: {  	v12 =	vmul.f32 v12, v14;
	v15 =	vbroadcast v6, $0x3;
	v17 =	vld [tilespmem:s16+$0x0];
	[tilespmem:s16+$0x70] =	vst v22  }
0xd5: {  	v13 =	vmul.f32 v13, v29;
	v10 =	vmul.f32 v10, v14;
	v14 =	vld [tilespmem:s16+$0x10];
	[tilespmem:s16+$0x80] =	vst v11  }
0xd6: {  	v22 =	vbroadcast v6, $0x8;
	v25 =	vmul.f32 v25, v26;
	v11 =	vld [tilespmem:s16+$0xFFFFFF30];
	[tilespmem:s16+$0xB0] =	vst v19  }
0xd7: {  	v19 =	vbroadcast v6, $0x1;
	v29 =	vld [tilespmem:s16+$0xFFFFFF70];
	[tilespmem:s16+$0xFFFFFFD0] =	vst v10;
	v26 =	vmul.f32 v27, v26  }
0xd8: {  	v7 =	vmul.f32 v7, v16;
	v10 =	vmul.f32 v24, v16;
	[tilespmem:s16+$0xFFFFFFC0] =	vst v12;
	v12 =	vld [tilespmem:s16+$0xF0]  }
0xd9: {  	v24 =	vmul.f32 v28, v23;
	v16 =	vld [tilespmem:s16+$0xFFFFFF80];
	[tilespmem:s16+$0xFFFFFFA0] =	vst v9;
	v17 =	vmul.f32 v17, v22  }
0xda: {  	v9 =	vld [tilespmem:s18+$0xFFFFFFA0];
	[tilespmem:s16+$0xFFFFFFF0] =	vst v7;
	v22 =	vmul.f32 v14, v22;
	v14 =	vmul.f32 v21, v23  }
0xdb: {  	v7 =	vmul.f32 v20, v19;
	v19 =	vmul.f32 v11, v19;
	[tilespmem:s16+$0x60] =	vst v13  }
0xdc: {  	v4 =	vmul.f32 v4, v15;
	v11 =	vmul.f32 v29, v15;
	[tilespmem:s16+$0xFFFFFFB0] =	vst v18  }
0xdd: {  	v6 =	vbroadcast v6, $0x4;
	[tilespmem:s16+$0xFFFFFF20] =	vst v7;
	v7 =	vmul.f32 v12, v8  }
0xde: {  	[tilespmem:s16+$0xFFFFFF60] =	vst v4  }
0xdf: {  	v8 =	vmul.f32 v16, v6;
	v4 =	vmul.f32 v5, v6;
	[tilespmem:s16+$0x40] =	vst v25  }
0xe0: {  	[tilespmem:s16+$0xFFFFFFE0] =	vst v10  }
0xe1: {  	[tilespmem:s16+$0xF0] =	vst v7  }
0xe2: {  	[tilespmem:s16+$0xFFFFFF90] =	vst v4  }
0xe3: {  	v7 =	vld [tilespmem:s18+$0xFFFFFFF0];
	[tilespmem:s16+$0xFFFFFF70] =	vst v11  }
0xe4: {  	v4 =	vld [tilespmem:s18+$0xFFFFFF60];
	[tilespmem:s16+$0x20] =	vst v14  }
0xe5: {  	v10 =	vld [tilespmem:s18+$0xFFFFFFD0];
	[tilespmem:s16+$0x30] =	vst v24  }
0xe6: {  	v11 =	vld [tilespmem:s18+$0x80];
	[tilespmem:s16+$0xFFFFFF80] =	vst v8  }
0xe7: {  	v14 =	vld [tilespmem:s18+$0xFFFFFF10];
	[tilespmem:s16+$0x50] =	vst v26  }
0xe8: {  	v18 =	vld [tilespmem:s18+$0xE0];
	[tilespmem:s16+$0x0] =	vst v17  }
0xe9: {  	v13 =	vld [tilespmem:s18+$0xFFFFFF40];
	[tilespmem:s16+$0xFFFFFF30] =	vst v19  }
0xea: {  	s20 =	sshra.s32 s20, $0x2;
	v5 =	vld [tilespmem:s18+$0xFFFFFF90];
	[tilespmem:s16+$0x10] =	vst v22;
	s16 =	smov.u32 s18  }
0xeb: {  	v6 =	vld [tilespmem:s20+$0x5800]  }
0xec: {  	v12 =	vld [tilespmem:s18+$0xFFFFFFC0]  }
0xed: {  	v15 =	vld [tilespmem:s18+$0xFFFFFF00]  }
0xee: {  	v16 =	vld [tilespmem:s18+$0xD0]  }
.Ltmp3:
0xef: {  	v25 =	vld [tilespmem:s18+$0xC0];
	(pc) =	sbr.rel @p0 .LBB2_10-.Ltmp3, $4  }
0xf0: {  	v21 =	vbroadcast v6, $0x0;
	v23 =	vld [tilespmem:s18+$0x90];
	v8 =	vbroadcast v6, $0xF  }
0xf1: {  	v22 =	vbroadcast v6, $0x2;
	v20 =	vbroadcast v6, $0xE;
	v24 =	vld [tilespmem:s18+$0xFFFFFF50]  }
0xf2: {  	v27 =	vmul.f32 v21, v15;
	v15 =	vbroadcast v6, $0xD;
	v19 =	vld [tilespmem:s18+$0xB0]  }
0xf3: {  	v17 =	vbroadcast v6, $0xC;
	v26 =	vmul.f32 v13, v22;
	v13 =	vld [tilespmem:s18+$0x60]  }
0xf4: {  	[tilespmem:s16+$0xFFFFFF00] =	vst v27;
	v18 =	vmul.f32 v18, v8  }
0xf5: {  	v25 =	vmul.f32 v25, v20;
	[tilespmem:s16+$0xFFFFFF40] =	vst v26  }
0xf6: {  	v14 =	vmul.f32 v14, v21;
	[tilespmem:s16+$0xE0] =	vst v18  }
0xf7: {  	v34 =	vmul.f32 v16, v20;
	[tilespmem:s16+$0xC0] =	vst v25  }
0xf8: {  	v32 =	vmul.f32 v23, v17;
	[tilespmem:s16+$0xFFFFFF10] =	vst v14  }
0xf9: {  	v40 =	vbroadcast v6, $0x6;
	v11 =	vmul.f32 v11, v17;
	[tilespmem:s16+$0xD0] =	vst v34  }
0xfa: {  	v22 =	vmul.f32 v24, v22;
	[tilespmem:s16+$0x90] =	vst v32  }
0xfb: {  	v44 =	vbroadcast v6, $0x5;
	v10 =	vmul.f32 v10, v40;
	[tilespmem:s16+$0x80] =	vst v11  }
0xfc: {  	v46 =	vbroadcast v6, $0x7;
	v12 =	vmul.f32 v12, v40;
	[tilespmem:s16+$0xFFFFFF50] =	vst v22  }
0xfd: {  	v53 =	vbroadcast v6, $0x3;
	v9 =	vmul.f32 v9, v44;
	[tilespmem:s16+$0xFFFFFFD0] =	vst v10  }
0xfe: {  	v30 =	vld [tilespmem:s16+$0xA0];
	v58 =	vbroadcast v6, $0x4;
	v7 =	vmul.f32 v7, v46;
	[tilespmem:s16+$0xFFFFFFC0] =	vst v12  }
0xff: {  	v31 =	vld [tilespmem:s16+$0x70];
	v4 =	vmul.f32 v4, v53;
	[tilespmem:s16+$0xFFFFFFA0] =	vst v9  }
0x100: {  	v33 =	vld [tilespmem:s16+$0xFFFFFFB0];
	v36 =	vbroadcast v6, $0xB;
	v5 =	vmul.f32 v5, v58;
	[tilespmem:s16+$0xFFFFFFF0] =	vst v7  }
0x101: {  	v35 =	vld [tilespmem:s16+$0xFFFFFF20];
	v42 =	vmul.f32 v19, v15;
	[tilespmem:s16+$0xFFFFFF60] =	vst v4  }
0x102: {  	v39 =	vld [tilespmem:s16+$0x40];
	v13 =	vmul.f32 v13, v36;
	[tilespmem:s16+$0xFFFFFF90] =	vst v5  }
0x103: {  	v37 =	vld [tilespmem:s16+$0xFFFFFFE0];
	v38 =	vmul.f32 v30, v15;
	[tilespmem:s16+$0xB0] =	vst v42  }
0x104: {  	v51 =	vbroadcast v6, $0x1;
	v54 =	vld [tilespmem:s16+$0xF0];
	v21 =	vmul.f32 v31, v36;
	[tilespmem:s16+$0x60] =	vst v13  }
0x105: {  	v48 =	vld [tilespmem:s16+$0xFFFFFF70];
	v55 =	vbroadcast v6, $0xA;
	v52 =	vmul.f32 v33, v44;
	[tilespmem:s16+$0xA0] =	vst v38  }
0x106: {  	v45 =	vld [tilespmem:s16+$0x30];
	v16 =	vmul.f32 v35, v51;
	[tilespmem:s16+$0x70] =	vst v21  }
0x107: {  	v49 =	vld [tilespmem:s16+$0xFFFFFF80];
	v57 =	vmul.f32 v39, v55;
	[tilespmem:s16+$0xFFFFFFB0] =	vst v52  }
0x108: {  	v43 =	vld [tilespmem:s16+$0x20];
	v11 =	vmul.f32 v37, v46;
	[tilespmem:s16+$0xFFFFFF20] =	vst v16  }
0x109: {  	v56 =	vld [tilespmem:s16+$0xFFFFFF30];
	v59 =	vbroadcast v6, $0x9;
	v4 =	vmul.f32 v54, v8;
	[tilespmem:s16+$0x40] =	vst v57  }
0x10a: {  	v41 =	vld [tilespmem:s16+$0x50];
	v60 =	vmul.f32 v48, v53;
	[tilespmem:s16+$0xFFFFFFE0] =	vst v11  }
0x10b: {  	v47 =	vld [tilespmem:s16+$0x0];
	v5 =	vmul.f32 v45, v59;
	[tilespmem:s16+$0xF0] =	vst v4  }
0x10c: {  	v50 =	vld [tilespmem:s16+$0x10];
	v62 =	vmul.f32 v49, v58;
	[tilespmem:s16+$0xFFFFFF70] =	vst v60  }
0x10d: {  	v4 =	vmul.f32 v43, v59;
	[tilespmem:s16+$0x30] =	vst v5  }
0x10e: {  	v61 =	vbroadcast v6, $0x8;
	v63 =	vmul.f32 v56, v51;
	[tilespmem:s16+$0xFFFFFF80] =	vst v62  }
0x10f: {  	[tilespmem:s16+$0x20] =	vst v4;
	v4 =	vmul.f32 v41, v55  }
0x110: {  	v5 =	vmul.f32 v47, v61;
	[tilespmem:s16+$0xFFFFFF30] =	vst v63  }
0x111: {  	[tilespmem:s16+$0x50] =	vst v4;
	v4 =	vmul.f32 v50, v61  }
0x112: {  	[tilespmem:s16+$0x0] =	vst v5  }
0x113: {  	s14 =	sadd.s32 $0x1, s14;
	[tilespmem:s16+$0x10] =	vst v4  }
0x114: {  	[spmem:s3] =	stream.indirect.scatter.add.f32 [tilespmem:s5], [sflag:$0x3], $0x80, s15, s28, $0xb8;
	[tilespmem:$0x1DD00] =	vst v63  }
0x115: {  	p0 =	sne.s32 s14, $0x1B;
	_ =	swait.ge [sflag:s0], $0x800  }
.Ltmp4:
0x116: {  	[sflag:s0] =	ssyncset.done $0x0;
	(pc) =	sbr.rel @p0 .LBB2_7-.Ltmp4, $4  }
0x117: {  	[sflag:s0] =	ssyncadd.s32 $0xFFFFF800  }
0x118: {  	_ =	swait.ge [sflag:s0], $0x4000  }
0x119: {  	[sflag:s0] =	ssyncset.done $0x0  }
0x11a: {  	[sflag:s0] =	ssyncadd.s32 $0xFFFFC000  }
0x11b: {  	s13 =	sadd.s32 $0x1, s13  }
0x11c: {  	p0 =	sne.s32 s13, $0x3  }
.Ltmp5:
0x11d: {  	_ = 	snop;
	(pc) =	sbr.rel @p0 .LBB2_6-.Ltmp5, $1  }
0x11e: {  	_ =	sdelay $0x3  }
0x11f: {  	s12 =	stileid.u32  }
0x120: {  	[bflag:$0x0] =	sbarrier.arrive $0xFFFF;
	s12 =	sshll.u32 s12, $0x6  }
0x121: {  	s13 =	sshrl.u32 s9, $0x3;
	s14 =	rddreg [dreg:$0xd];
	s12 =	sor.u32 $0x1C04, s12  }
0x122: {  	[hbm:s14], [sflag:s12] =	dma.local [spmem:s13], $0x2800  }
0x123: {  	s11 =	sadd.s32 $0x1, s11;
	_ =	swait.ge [sflag:s23], $0x2800  }
0x124: {  	p0 =	sne.s32 s11, s22;
	[sflag:s23] =	ssyncset.done $0x0  }
.Ltmp6:
0x125: {  	s20 =	sshrl.u32 s10, $0x3;
	[sflag:s23] =	ssyncadd.s32 $0xFFFFD800;
	(pc) =	sbr.rel @p0 .LBB2_1-.Ltmp6, $4  }
0x126: {  	[hbm:s21], [sflag:s12] =	dma.local [spmem:s20], $0x500  }
0x127: {  	_ =	swait.ge [sflag:s23], $0x500  }
0x128: {  	[sflag:s23] =	ssyncset.done $0x0  }
0x129: {  	[sflag:s23] =	ssyncadd.s32 $0xFFFFFB00  }
0x12a: {  	_ =	sfence.sel $0x180000  }
0x12b: {  	[bflag:$0x0] =	sbarrier.arrive $0xFFFF  }
0x12c: {  	_ =	strace $0x90000047  }
0x12d: {  	s0 =	stileid.u32;
	[bflag:$0x2] =	sbarrier.arrive $0xFFFF  }
0x12e: {  	p0 =	sne.s32 s0, $0x0;
	s0 =	rddreg [dreg:$0x4]  }
0x12f: {  	s0 =	sadd.s32 @!p0 $0x100000, s0  }
0x130: {  	[sflag:s0] =	ssyncadd.tile.s32 @!p0 $0x1;
	_ =	shalt  }
.Lfunc_end2:
_tile_overlayer_lowered:
.L_overlay_start_2:
0x131: {  	(tag) =	ssettag $0x2  }
0x132: {  	s0 =	rddreg [dreg:$0x0];
	s2 =	stileid.u32  }
0x133: {  	s1 =	rddreg [dreg:$0x1];
	p0 =	sne.s32 s2, $0x0  }
0x134: {  	s3 =	rddreg [dreg:$0x2];
	[bflag:$0x3] =	sbarrier.arrive $0xFFFF;
	s2 =	simm.s32 @!p0 $0x1C04  }
0x135: {  	[timem:s3], [sflag:s2] =	dma.local @!p0 [hbm:s0], s1  }
0x136: {  	s0 =	simm.s32 @!p0 $0x4  }
0x137: {  	_ =	swait.ge @!p0 [sflag:s0], s1  }
0x138: {  	s1 =	ssub.s32 @!p0 $0x0, s1;
	[sflag:s0] =	ssyncset.done @!p0 $0x0  }
0x139: {  	[sflag:s0] =	ssyncadd.s32 @!p0 s1  }
0x13a: {  	[bflag:$0x3] =	sbarrier.arrive $0xFFFF  }
0x13b: {  	_ =	shalt  }

</sc_bundles>
